<compile_context>
chip_gen: v7x
topology: tpu7x:2x2x1
jax: 0.10.2.dev20260603
libtpu: 0.0.44.dev20260713+nightly
codegen_flags: <defaults>
</compile_context>

<pallas_src>
import functools

import jax
import jax.numpy as jnp
from jax import lax
from jax.experimental import pallas as pl
from jax.experimental.pallas import tpu as pltpu
from jax.experimental.pallas import tpu_sc as plsc

N_NODES = 10000
D = 128
N_GRAPHS = 64

NC = 2
NS = 16
NW = NC * NS
CHUNK = 128
ROWS_PER_TILE = 640
N_PAD = NS * ROWS_PER_TILE
BLK = 1000
IH = 40


def _sc_aggregate(px, src2, dst2, kpt):
  mesh = plsc.VectorSubcoreMesh(core_axis_name="c", subcore_axis_name="s")
  t0 = NS * kpt

  assert kpt % IH == 0 and IH % 2 == 0
  nh = kpt // IH

  @functools.partial(
      pl.kernel,
      out_type=jax.ShapeDtypeStruct((NC, N_NODES, D), jnp.float32),
      mesh=mesh,
      scratch_types=[
          pltpu.MemorySpace.VMEM_SHARED((N_PAD, D), jnp.float32),
          pltpu.MemorySpace.VMEM((IH, CHUNK), jnp.int32),
          pltpu.MemorySpace.VMEM((IH, CHUNK), jnp.int32),
          pltpu.MemorySpace.VMEM((CHUNK, D), jnp.float32),
          pltpu.MemorySpace.VMEM((CHUNK, D), jnp.float32),
          pltpu.SemaphoreType.DMA,
          pltpu.SemaphoreType.DMA,
      ],
  )
  def agg(px_hbm, src_hbm, dst_hbm, out_hbm,
          acc_sh, src_v, dst_v, rows0, rows1, gsem0, gsem1):
    c = lax.axis_index("c")
    s = lax.axis_index("s")
    r0 = s * ROWS_PER_TILE
    base = c * t0 + s * kpt

    zv = jnp.zeros((16,), jnp.float32)

    def zstep(t, carry):
      rows0[t >> 3, pl.ds((t & 7) * 16, 16)] = zv
      return carry

    lax.fori_loop(0, CHUNK * 8, zstep, 0)
    for q in range(ROWS_PER_TILE // CHUNK):
      pltpu.sync_copy(rows0, acc_sh.at[pl.ds(r0 + q * CHUNK, CHUNK)])
    plsc.subcore_barrier()

    for h in range(nh):
      pltpu.sync_copy(src_hbm.at[pl.ds(base + h * IH, IH)], src_v)
      pltpu.sync_copy(dst_hbm.at[pl.ds(base + h * IH, IH)], dst_v)
      pltpu.async_copy(px_hbm.at[src_v.at[0]], rows0, gsem0)

      def step(half, carry):
        jj = half * 2
        d1 = pltpu.async_copy(px_hbm.at[src_v.at[jj + 1]], rows1, gsem1)
        pltpu.make_async_copy(px_hbm.at[pl.ds(0, CHUNK)], rows0,
                              gsem0).wait()
        pltpu.sync_copy(rows0, acc_sh.at[dst_v.at[jj]], add=True)

        @pl.when(jj + 2 < IH)
        def _():
          pltpu.async_copy(px_hbm.at[src_v.at[jj + 2]], rows0, gsem0)

        d1.wait()
        pltpu.sync_copy(rows1, acc_sh.at[dst_v.at[jj + 1]], add=True)
        return carry

      lax.fori_loop(0, IH // 2, step, 0)
    plsc.subcore_barrier()

    @pl.when(s < NS - 1)
    def _():
      pltpu.sync_copy(acc_sh.at[pl.ds(r0, ROWS_PER_TILE)],
                      out_hbm.at[c].at[pl.ds(r0, ROWS_PER_TILE)])

    last = N_NODES - (NS - 1) * ROWS_PER_TILE

    @pl.when(s == NS - 1)
    def _():
      pltpu.sync_copy(acc_sh.at[pl.ds((NS - 1) * ROWS_PER_TILE, last)],
                      out_hbm.at[c].at[pl.ds((NS - 1) * ROWS_PER_TILE, last)])

  return agg(px, src2, dst2)


def _mlp_body(px_ref, a0_ref, a1_ref, wa_ref, ba_ref, wb_ref, bb_ref,
              out_ref):
  h = px_ref[...] + a0_ref[...] + a1_ref[...]
  h = jnp.maximum(
      jnp.dot(h, wa_ref[...], preferred_element_type=jnp.float32)
      + ba_ref[...], 0.0)
  h = jnp.maximum(
      jnp.dot(h, wb_ref[...], preferred_element_type=jnp.float32)
      + bb_ref[...], 0.0)
  out_ref[...] = h


def _mlp(px, a0, a1, Wa, ba, Wb, bb):
  n_blocks = N_NODES // BLK
  return pl.pallas_call(
      _mlp_body,
      grid=(n_blocks,),
      in_specs=[
          pl.BlockSpec((BLK, D), lambda i: (i, 0)),
          pl.BlockSpec((BLK, D), lambda i: (i, 0)),
          pl.BlockSpec((BLK, D), lambda i: (i, 0)),
          pl.BlockSpec((D, D), lambda i: (0, 0)),
          pl.BlockSpec((1, D), lambda i: (0, 0)),
          pl.BlockSpec((D, D), lambda i: (0, 0)),
          pl.BlockSpec((1, D), lambda i: (0, 0)),
      ],
      out_specs=pl.BlockSpec((BLK, D), lambda i: (i, 0)),
      out_shape=jax.ShapeDtypeStruct((N_NODES, D), jnp.float32),
  )(px, a0, a1, Wa, ba.reshape(1, D), Wb, bb.reshape(1, D))


def _mlp_pool_head_body(px_ref, a0_ref, a1_ref, wa_ref, ba_ref, wb_ref,
                        bb_ref, b_ref, w1_ref, b1_ref, w2_ref, b2_ref,
                        pool_ref, out_ref):
  h = px_ref[...] + a0_ref[...] + a1_ref[...]
  h = jnp.maximum(
      jnp.dot(h, wa_ref[...], preferred_element_type=jnp.float32)
      + ba_ref[...], 0.0)
  h = jnp.maximum(
      jnp.dot(h, wb_ref[...], preferred_element_type=jnp.float32)
      + bb_ref[...], 0.0)
  seg = b_ref[0, 0, :]
  onehot = (lax.broadcasted_iota(jnp.int32, (N_GRAPHS, BLK), 0)
            == seg[None, :]).astype(jnp.float32)

  @pl.when(pl.program_id(0) == 0)
  def _():
    pool_ref[...] = jnp.zeros_like(pool_ref)

  pool_ref[...] += jnp.dot(onehot, h, preferred_element_type=jnp.float32)

  @pl.when(pl.program_id(0) == pl.num_programs(0) - 1)
  def _():
    g = jnp.maximum(
        jnp.dot(pool_ref[...], w1_ref[...],
                preferred_element_type=jnp.float32) + b1_ref[...], 0.0)
    out_ref[...] = (
        jnp.dot(g, w2_ref[...], preferred_element_type=jnp.float32)
        + b2_ref[...])


def _mlp_pool_head(px, a0, a1, Wa, ba, Wb, bb, batch3, Wl1, bl1, Wl2p, bl2b):
  n_blocks = N_NODES // BLK
  full = lambda i: (0, 0)
  _, out = pl.pallas_call(
      _mlp_pool_head_body,
      grid=(n_blocks,),
      in_specs=[
          pl.BlockSpec((BLK, D), lambda i: (i, 0)),
          pl.BlockSpec((BLK, D), lambda i: (i, 0)),
          pl.BlockSpec((BLK, D), lambda i: (i, 0)),
          pl.BlockSpec((D, D), full),
          pl.BlockSpec((1, D), full),
          pl.BlockSpec((D, D), full),
          pl.BlockSpec((1, D), full),
          pl.BlockSpec((1, 1, BLK), lambda i: (i, 0, 0)),
          pl.BlockSpec((D, D), full),
          pl.BlockSpec((1, D), full),
          pl.BlockSpec((D, D), full),
          pl.BlockSpec((1, D), full),
      ],
      out_specs=[
          pl.BlockSpec((N_GRAPHS, D), full),
          pl.BlockSpec((N_GRAPHS, D), full),
      ],
      out_shape=[
          jax.ShapeDtypeStruct((N_GRAPHS, D), jnp.float32),
          jax.ShapeDtypeStruct((N_GRAPHS, D), jnp.float32),
      ],
  )(px, a0, a1, Wa, ba.reshape(1, D), Wb, bb.reshape(1, D), batch3,
    Wl1, bl1.reshape(1, D), Wl2p, bl2b)
  return out


def kernel(x, edge_index, batch, W1a, b1a, W1b, b1b, W2a, b2a, W2b, b2b,
           Wl1, bl1, Wl2, bl2):
  n_edges = edge_index.shape[1]
  t_chunks = -(-n_edges // CHUNK)
  kpt = -(-t_chunks // (NW * IH)) * IH
  tp = NW * kpt
  ep = tp * CHUNK

  src = edge_index[0].astype(jnp.int32)
  dst = edge_index[1].astype(jnp.int32)
  pad = ep - n_edges
  ar = jnp.arange(pad, dtype=jnp.int32)
  src_p = jnp.concatenate([src, ar % N_NODES])
  dump = N_NODES + ar % (N_PAD - N_NODES)
  dst_p = jnp.concatenate([dst, dump])
  src2 = src_p.reshape(tp, CHUNK)
  dst2 = dst_p.reshape(tp, CHUNK)

  batch3 = batch.astype(jnp.int32).reshape(N_NODES // BLK, 1, BLK)
  Wl2p = jnp.pad(Wl2, ((0, 0), (0, D - Wl2.shape[1])))
  bl2b = jnp.broadcast_to(bl2.reshape(1, 1), (1, D))

  acc1 = _sc_aggregate(x, src2, dst2, kpt)
  h1 = _mlp(x, acc1[0], acc1[1], W1a, b1a, W1b, b1b)
  acc2 = _sc_aggregate(h1, src2, dst2, kpt)
  out = _mlp_pool_head(h1, acc2[0], acc2[1], W2a, b2a, W2b, b2b, batch3,
                       Wl1, bl1, Wl2p, bl2b)
  return out[:, :1]

# --- scband reference (transcript-rebuilt; emitter-appended) ---
"""Pipeline reference for scband-net-63256278336098 (READ-ONLY COPY).

The authoritative reference and input builder live on the scoring server;
editing this copy changes nothing except your own understanding.
"""

import jax, jax.numpy as jnp
import numpy as np

N_NODES = 10000
N_EDGES = 320000
D = 128
N_GRAPHS = 64


def setup_inputs(seed: int = 0) -> dict:
    key = jax.random.key(seed)
    ks = jax.random.split(key, 16)
    x = jax.random.normal(ks[0], (N_NODES, D), dtype=jnp.float32)
    edge_index = jax.random.randint(ks[1], (2, N_EDGES), 0, N_NODES, dtype=jnp.int64)
    batch = jnp.sort(jax.random.randint(ks[2], (N_NODES,), 0, N_GRAPHS, dtype=jnp.int64))
    s = 1.0 / np.sqrt(D)
    params = {
        'W1a': jax.random.normal(ks[3], (D, D), dtype=jnp.float32) * s,
        'b1a': jnp.zeros((D,), dtype=jnp.float32),
        'W1b': jax.random.normal(ks[4], (D, D), dtype=jnp.float32) * s,
        'b1b': jnp.zeros((D,), dtype=jnp.float32),
        'W2a': jax.random.normal(ks[5], (D, D), dtype=jnp.float32) * s,
        'b2a': jnp.zeros((D,), dtype=jnp.float32),
        'W2b': jax.random.normal(ks[6], (D, D), dtype=jnp.float32) * s,
        'b2b': jnp.zeros((D,), dtype=jnp.float32),
        'Wl1': jax.random.normal(ks[7], (D, D), dtype=jnp.float32) * s,
        'bl1': jnp.zeros((D,), dtype=jnp.float32),
        'Wl2': jax.random.normal(ks[8], (D, 1), dtype=jnp.float32) * s,
        'bl2': jnp.zeros((1,), dtype=jnp.float32),
    }
    out = {'x': x, 'edge_index': edge_index, 'batch': batch}
    out.update(params)
    return out


def _gin_conv(x, edge_index, Wa, ba, Wb, bb):
    src = edge_index[0]
    dst = edge_index[1]
    # sum aggregation of neighbor messages (GINConv, eps=0): (1+eps)*x + sum_{j->i} x_j
    agg = jnp.zeros_like(x).at[dst].add(x[src])
    h = x + agg
    h = jax.nn.relu(h @ Wa + ba)
    h = jax.nn.relu(h @ Wb + bb)
    return h


def reference(x, edge_index, batch, W1a, b1a, W1b, b1b, W2a, b2a, W2b, b2b, Wl1, bl1, Wl2, bl2):
    # forward loops range(int(L-1)) with L=3 -> conv1 and conv2 only (conv3 unused)
    h = _gin_conv(x, edge_index, W1a, b1a, W1b, b1b)
    h = _gin_conv(h, edge_index, W2a, b2a, W2b, b2b)
    # global_add_pool
    pooled = jax.ops.segment_sum(h, batch, num_segments=N_GRAPHS)
    h = jax.nn.relu(pooled @ Wl1 + bl1)
    out = h @ Wl2 + bl2
    return out

if __name__ == "__main__":
    import jax
    _d = setup_inputs()
    print(jax.jit(kernel)(*tuple(_d.values())))

</pallas_src>

<mosaic_0001>
#map = affine_map<(d0, d1) -> (0, 0)>
#map1 = affine_map<(d0, d1) -> (0, 0, 0)>
module attributes {stable_mosaic.version = 14 : i64} {
  func.func @agg(%arg0: i32, %arg1: i32, %arg2: memref<10000x128xf32, #tpu.memory_space<hbm>>, %arg3: memref<2560x128xi32, #tpu.memory_space<hbm>>, %arg4: memref<2560x128xi32, #tpu.memory_space<hbm>>, %arg5: memref<2x10000x128xf32, #tpu.memory_space<hbm>>, %arg6: memref<10240x128xf32, #tpu.memory_space<vmem_shared>>, %arg7: memref<40x128xi32, #tpu.memory_space<vmem>>, %arg8: memref<40x128xi32, #tpu.memory_space<vmem>>, %arg9: memref<128x128xf32, #tpu.memory_space<vmem>>, %arg10: memref<128x128xf32, #tpu.memory_space<vmem>>, %arg11: memref<!tpu.dma_semaphore, #tpu.memory_space<semaphore_mem>>, %arg12: memref<!tpu.dma_semaphore, #tpu.memory_space<semaphore_mem>>) attributes {dimension_semantics = [#tpu.dimension_semantics<core_parallel>, #tpu.dimension_semantics<subcore_parallel>], iteration_bounds = array<i64: 2, 16>, scalar_prefetch = 0 : i64, scratch_operands = 7 : i64, tpu.core_type = #tpu.core_type<sc_vector_subcore>, window_params = [{transform_indices = #map}, {transform_indices = #map}, {transform_indices = #map}, {transform_indices = #map1}]} {
    %mul3A = arith.constant 640 : i32
    %mul3A_0 = arith.muli %arg1, %mul3A : i32
    %mul3A_1 = arith.constant 1280 : i32
    %mul3A_2 = arith.muli %arg0, %mul3A_1 : i32
    %mul3A_3 = arith.constant 80 : i32
    %mul3A_4 = arith.muli %arg1, %mul3A_3 : i32
    %add3A = arith.addi %mul3A_2, %mul3A_4 : i32
    %broadcast_in_dim3A = arith.constant 0.000000e+00 : f32
    %broadcast_in_dim3A_5 = vector.broadcast %broadcast_in_dim3A : f32 to vector<16xf32>
    %scan3A = arith.constant 0 : i32
    %scan3A_6 = arith.constant 0 : i32
    %scan3A_7 = arith.constant 1024 : i32
    %scan3A_8 = arith.addi %scan3A_6, %scan3A_7 : i32
    %scan3A_9 = arith.constant 1 : i32
    scf.for %scan3A_61 = %scan3A_6 to %scan3A_8 step %scan3A_9  : i32 {
      %shift_right_arithmetic3A = arith.constant 3 : i32
      %shift_right_arithmetic3A_62 = arith.shrsi %scan3A_61, %shift_right_arithmetic3A : i32
      %and3A = arith.constant 7 : i32
      %and3A_63 = arith.andi %scan3A_61, %and3A : i32
      %mul3A_64 = arith.constant 16 : i32
      %mul3A_65 = arith.muli %and3A_63, %mul3A_64 : i32
      %swap3A = arith.index_cast %shift_right_arithmetic3A_62 : i32 to index
      %swap3A_66 = arith.index_cast %mul3A_65 : i32 to index
      %swap3A_67 = tpu.vector_load %arg9[%swap3A, %swap3A_66] {strides = array<i32>} : memref<128x128xf32, #tpu.memory_space<vmem>>, vector<1x16xf32>,
      %swap3A_68 = vector.shape_cast %swap3A_67 : vector<1x16xf32> to vector<16xf32>
      %swap3A_69 = vector.shape_cast %broadcast_in_dim3A_5 : vector<16xf32> to vector<1x16xf32>
      tpu.vector_store %arg9[%swap3A, %swap3A_66], %swap3A_69 {strides = array<i32>} : memref<128x128xf32, #tpu.memory_space<vmem>>, vector<1x16xf32>,
    }
    %scan3A_10 = arith.constant 1024 : i32
    %add3A_11 = arith.constant 0 : i32
    %add3A_12 = arith.addi %mul3A_0, %add3A_11 : i32
    "tpu.region"() ({
      %run_scoped3A = tpu.sem_alloc : memref<!tpu.dma_semaphore, #tpu.memory_space<semaphore_mem>>
      %dma_start3A_61 = arith.constant 0 : i32
      %dma_start3A_62 = tpu.memref_slice %arg6[%add3A_12, %dma_start3A_61] : memref<10240x128xf32, #tpu.memory_space<vmem_shared>> -> memref<128x128xf32, #tpu.memory_space<vmem_shared>>
      %dma_start3A_63 = arith.constant 0 : i32
      %dma_start3A_64 = tpu.memref_slice %arg6[%add3A_12, %dma_start3A_63] : memref<10240x128xf32, #tpu.memory_space<vmem_shared>> -> memref<128x128xf32, #tpu.memory_space<vmem_shared>>
      tpu.enqueue_dma source(%arg9 : memref<128x128xf32, #tpu.memory_space<vmem>>) target(%dma_start3A_64 : memref<128x128xf32, #tpu.memory_space<vmem_shared>>) target_semaphore(%run_scoped3A : memref<!tpu.dma_semaphore, #tpu.memory_space<semaphore_mem>>)
      %dma_wait3A = arith.constant 0 : i32
      %dma_wait3A_65 = tpu.memref_slice %arg6[%add3A_12, %dma_wait3A] : memref<10240x128xf32, #tpu.memory_space<vmem_shared>> -> memref<128x128xf32, #tpu.memory_space<vmem_shared>>
      %dma_wait3A_66 = arith.constant 0 : i32
      %dma_wait3A_67 = tpu.memref_slice %arg6[%add3A_12, %dma_wait3A_66] : memref<10240x128xf32, #tpu.memory_space<vmem_shared>> -> memref<128x128xf32, #tpu.memory_space<vmem_shared>>
      tpu.wait_dma2 semaphore(%run_scoped3A : memref<!tpu.dma_semaphore, #tpu.memory_space<semaphore_mem>>) src(%arg9 : memref<128x128xf32, #tpu.memory_space<vmem>>) dst(%dma_wait3A_67 : memref<128x128xf32, #tpu.memory_space<vmem_shared>>)
      tpu.yield
    }) : () -> ()
    %add3A_13 = arith.constant 128 : i32
    %add3A_14 = arith.addi %mul3A_0, %add3A_13 : i32
    "tpu.region"() ({
      %run_scoped3A = tpu.sem_alloc : memref<!tpu.dma_semaphore, #tpu.memory_space<semaphore_mem>>
      %dma_start3A_61 = arith.constant 0 : i32
      %dma_start3A_62 = tpu.memref_slice %arg6[%add3A_14, %dma_start3A_61] : memref<10240x128xf32, #tpu.memory_space<vmem_shared>> -> memref<128x128xf32, #tpu.memory_space<vmem_shared>>
      %dma_start3A_63 = arith.constant 0 : i32
      %dma_start3A_64 = tpu.memref_slice %arg6[%add3A_14, %dma_start3A_63] : memref<10240x128xf32, #tpu.memory_space<vmem_shared>> -> memref<128x128xf32, #tpu.memory_space<vmem_shared>>
      tpu.enqueue_dma source(%arg9 : memref<128x128xf32, #tpu.memory_space<vmem>>) target(%dma_start3A_64 : memref<128x128xf32, #tpu.memory_space<vmem_shared>>) target_semaphore(%run_scoped3A : memref<!tpu.dma_semaphore, #tpu.memory_space<semaphore_mem>>)
      %dma_wait3A = arith.constant 0 : i32
      %dma_wait3A_65 = tpu.memref_slice %arg6[%add3A_14, %dma_wait3A] : memref<10240x128xf32, #tpu.memory_space<vmem_shared>> -> memref<128x128xf32, #tpu.memory_space<vmem_shared>>
      %dma_wait3A_66 = arith.constant 0 : i32
      %dma_wait3A_67 = tpu.memref_slice %arg6[%add3A_14, %dma_wait3A_66] : memref<10240x128xf32, #tpu.memory_space<vmem_shared>> -> memref<128x128xf32, #tpu.memory_space<vmem_shared>>
      tpu.wait_dma2 semaphore(%run_scoped3A : memref<!tpu.dma_semaphore, #tpu.memory_space<semaphore_mem>>) src(%arg9 : memref<128x128xf32, #tpu.memory_space<vmem>>) dst(%dma_wait3A_67 : memref<128x128xf32, #tpu.memory_space<vmem_shared>>)
      tpu.yield
    }) : () -> ()
    %add3A_15 = arith.constant 256 : i32
    %add3A_16 = arith.addi %mul3A_0, %add3A_15 : i32
    "tpu.region"() ({
      %run_scoped3A = tpu.sem_alloc : memref<!tpu.dma_semaphore, #tpu.memory_space<semaphore_mem>>
      %dma_start3A_61 = arith.constant 0 : i32
      %dma_start3A_62 = tpu.memref_slice %arg6[%add3A_16, %dma_start3A_61] : memref<10240x128xf32, #tpu.memory_space<vmem_shared>> -> memref<128x128xf32, #tpu.memory_space<vmem_shared>>
      %dma_start3A_63 = arith.constant 0 : i32
      %dma_start3A_64 = tpu.memref_slice %arg6[%add3A_16, %dma_start3A_63] : memref<10240x128xf32, #tpu.memory_space<vmem_shared>> -> memref<128x128xf32, #tpu.memory_space<vmem_shared>>
      tpu.enqueue_dma source(%arg9 : memref<128x128xf32, #tpu.memory_space<vmem>>) target(%dma_start3A_64 : memref<128x128xf32, #tpu.memory_space<vmem_shared>>) target_semaphore(%run_scoped3A : memref<!tpu.dma_semaphore, #tpu.memory_space<semaphore_mem>>)
      %dma_wait3A = arith.constant 0 : i32
      %dma_wait3A_65 = tpu.memref_slice %arg6[%add3A_16, %dma_wait3A] : memref<10240x128xf32, #tpu.memory_space<vmem_shared>> -> memref<128x128xf32, #tpu.memory_space<vmem_shared>>
      %dma_wait3A_66 = arith.constant 0 : i32
      %dma_wait3A_67 = tpu.memref_slice %arg6[%add3A_16, %dma_wait3A_66] : memref<10240x128xf32, #tpu.memory_space<vmem_shared>> -> memref<128x128xf32, #tpu.memory_space<vmem_shared>>
      tpu.wait_dma2 semaphore(%run_scoped3A : memref<!tpu.dma_semaphore, #tpu.memory_space<semaphore_mem>>) src(%arg9 : memref<128x128xf32, #tpu.memory_space<vmem>>) dst(%dma_wait3A_67 : memref<128x128xf32, #tpu.memory_space<vmem_shared>>)
      tpu.yield
    }) : () -> ()
    %add3A_17 = arith.constant 384 : i32
    %add3A_18 = arith.addi %mul3A_0, %add3A_17 : i32
    "tpu.region"() ({
      %run_scoped3A = tpu.sem_alloc : memref<!tpu.dma_semaphore, #tpu.memory_space<semaphore_mem>>
      %dma_start3A_61 = arith.constant 0 : i32
      %dma_start3A_62 = tpu.memref_slice %arg6[%add3A_18, %dma_start3A_61] : memref<10240x128xf32, #tpu.memory_space<vmem_shared>> -> memref<128x128xf32, #tpu.memory_space<vmem_shared>>
      %dma_start3A_63 = arith.constant 0 : i32
      %dma_start3A_64 = tpu.memref_slice %arg6[%add3A_18, %dma_start3A_63] : memref<10240x128xf32, #tpu.memory_space<vmem_shared>> -> memref<128x128xf32, #tpu.memory_space<vmem_shared>>
      tpu.enqueue_dma source(%arg9 : memref<128x128xf32, #tpu.memory_space<vmem>>) target(%dma_start3A_64 : memref<128x128xf32, #tpu.memory_space<vmem_shared>>) target_semaphore(%run_scoped3A : memref<!tpu.dma_semaphore, #tpu.memory_space<semaphore_mem>>)
      %dma_wait3A = arith.constant 0 : i32
      %dma_wait3A_65 = tpu.memref_slice %arg6[%add3A_18, %dma_wait3A] : memref<10240x128xf32, #tpu.memory_space<vmem_shared>> -> memref<128x128xf32, #tpu.memory_space<vmem_shared>>
      %dma_wait3A_66 = arith.constant 0 : i32
      %dma_wait3A_67 = tpu.memref_slice %arg6[%add3A_18, %dma_wait3A_66] : memref<10240x128xf32, #tpu.memory_space<vmem_shared>> -> memref<128x128xf32, #tpu.memory_space<vmem_shared>>
      tpu.wait_dma2 semaphore(%run_scoped3A : memref<!tpu.dma_semaphore, #tpu.memory_space<semaphore_mem>>) src(%arg9 : memref<128x128xf32, #tpu.memory_space<vmem>>) dst(%dma_wait3A_67 : memref<128x128xf32, #tpu.memory_space<vmem_shared>>)
      tpu.yield
    }) : () -> ()
    %add3A_19 = arith.constant 512 : i32
    %add3A_20 = arith.addi %mul3A_0, %add3A_19 : i32
    "tpu.region"() ({
      %run_scoped3A = tpu.sem_alloc : memref<!tpu.dma_semaphore, #tpu.memory_space<semaphore_mem>>
      %dma_start3A_61 = arith.constant 0 : i32
      %dma_start3A_62 = tpu.memref_slice %arg6[%add3A_20, %dma_start3A_61] : memref<10240x128xf32, #tpu.memory_space<vmem_shared>> -> memref<128x128xf32, #tpu.memory_space<vmem_shared>>
      %dma_start3A_63 = arith.constant 0 : i32
      %dma_start3A_64 = tpu.memref_slice %arg6[%add3A_20, %dma_start3A_63] : memref<10240x128xf32, #tpu.memory_space<vmem_shared>> -> memref<128x128xf32, #tpu.memory_space<vmem_shared>>
      tpu.enqueue_dma source(%arg9 : memref<128x128xf32, #tpu.memory_space<vmem>>) target(%dma_start3A_64 : memref<128x128xf32, #tpu.memory_space<vmem_shared>>) target_semaphore(%run_scoped3A : memref<!tpu.dma_semaphore, #tpu.memory_space<semaphore_mem>>)
      %dma_wait3A = arith.constant 0 : i32
      %dma_wait3A_65 = tpu.memref_slice %arg6[%add3A_20, %dma_wait3A] : memref<10240x128xf32, #tpu.memory_space<vmem_shared>> -> memref<128x128xf32, #tpu.memory_space<vmem_shared>>
      %dma_wait3A_66 = arith.constant 0 : i32
      %dma_wait3A_67 = tpu.memref_slice %arg6[%add3A_20, %dma_wait3A_66] : memref<10240x128xf32, #tpu.memory_space<vmem_shared>> -> memref<128x128xf32, #tpu.memory_space<vmem_shared>>
      tpu.wait_dma2 semaphore(%run_scoped3A : memref<!tpu.dma_semaphore, #tpu.memory_space<semaphore_mem>>) src(%arg9 : memref<128x128xf32, #tpu.memory_space<vmem>>) dst(%dma_wait3A_67 : memref<128x128xf32, #tpu.memory_space<vmem_shared>>)
      tpu.yield
    }) : () -> ()
    %barrier3A = arith.constant 0 : index
    tpu.barrier barrier_id(%barrier3A)
    %add3A_21 = arith.constant 0 : i32
    %add3A_22 = arith.addi %add3A, %add3A_21 : i32
    "tpu.region"() ({
      %run_scoped3A = tpu.sem_alloc : memref<!tpu.dma_semaphore, #tpu.memory_space<semaphore_mem>>
      %dma_start3A_61 = arith.constant 0 : i32
      %dma_start3A_62 = tpu.memref_slice %arg3[%add3A_22, %dma_start3A_61] : memref<2560x128xi32, #tpu.memory_space<hbm>> -> memref<40x128xi32, #tpu.memory_space<hbm>>
      %dma_start3A_63 = arith.constant 0 : i32
      %dma_start3A_64 = tpu.memref_slice %arg3[%add3A_22, %dma_start3A_63] : memref<2560x128xi32, #tpu.memory_space<hbm>> -> memref<40x128xi32, #tpu.memory_space<hbm>>
      tpu.enqueue_dma source(%dma_start3A_64 : memref<40x128xi32, #tpu.memory_space<hbm>>) target(%arg7 : memref<40x128xi32, #tpu.memory_space<vmem>>) target_semaphore(%run_scoped3A : memref<!tpu.dma_semaphore, #tpu.memory_space<semaphore_mem>>)
      %dma_wait3A = arith.constant 0 : i32
      %dma_wait3A_65 = tpu.memref_slice %arg3[%add3A_22, %dma_wait3A] : memref<2560x128xi32, #tpu.memory_space<hbm>> -> memref<40x128xi32, #tpu.memory_space<hbm>>
      %dma_wait3A_66 = arith.constant 0 : i32
      %dma_wait3A_67 = tpu.memref_slice %arg3[%add3A_22, %dma_wait3A_66] : memref<2560x128xi32, #tpu.memory_space<hbm>> -> memref<40x128xi32, #tpu.memory_space<hbm>>
      tpu.wait_dma2 semaphore(%run_scoped3A : memref<!tpu.dma_semaphore, #tpu.memory_space<semaphore_mem>>) src(%dma_wait3A_67 : memref<40x128xi32, #tpu.memory_space<hbm>>) dst(%arg7 : memref<40x128xi32, #tpu.memory_space<vmem>>)
      tpu.yield
    }) : () -> ()
    %add3A_23 = arith.constant 0 : i32
    %add3A_24 = arith.addi %add3A, %add3A_23 : i32
    "tpu.region"() ({
      %run_scoped3A = tpu.sem_alloc : memref<!tpu.dma_semaphore, #tpu.memory_space<semaphore_mem>>
      %dma_start3A_61 = arith.constant 0 : i32
      %dma_start3A_62 = tpu.memref_slice %arg4[%add3A_24, %dma_start3A_61] : memref<2560x128xi32, #tpu.memory_space<hbm>> -> memref<40x128xi32, #tpu.memory_space<hbm>>
      %dma_start3A_63 = arith.constant 0 : i32
      %dma_start3A_64 = tpu.memref_slice %arg4[%add3A_24, %dma_start3A_63] : memref<2560x128xi32, #tpu.memory_space<hbm>> -> memref<40x128xi32, #tpu.memory_space<hbm>>
      tpu.enqueue_dma source(%dma_start3A_64 : memref<40x128xi32, #tpu.memory_space<hbm>>) target(%arg8 : memref<40x128xi32, #tpu.memory_space<vmem>>) target_semaphore(%run_scoped3A : memref<!tpu.dma_semaphore, #tpu.memory_space<semaphore_mem>>)
      %dma_wait3A = arith.constant 0 : i32
      %dma_wait3A_65 = tpu.memref_slice %arg4[%add3A_24, %dma_wait3A] : memref<2560x128xi32, #tpu.memory_space<hbm>> -> memref<40x128xi32, #tpu.memory_space<hbm>>
      %dma_wait3A_66 = arith.constant 0 : i32
      %dma_wait3A_67 = tpu.memref_slice %arg4[%add3A_24, %dma_wait3A_66] : memref<2560x128xi32, #tpu.memory_space<hbm>> -> memref<40x128xi32, #tpu.memory_space<hbm>>
      tpu.wait_dma2 semaphore(%run_scoped3A : memref<!tpu.dma_semaphore, #tpu.memory_space<semaphore_mem>>) src(%dma_wait3A_67 : memref<40x128xi32, #tpu.memory_space<hbm>>) dst(%arg8 : memref<40x128xi32, #tpu.memory_space<vmem>>)
      tpu.yield
    }) : () -> ()
    %dma_start3A = arith.constant 0 : i32
    %dma_start3A_25 = arith.constant 0 : i32
    %dma_start3A_26 = tpu.memref_slice %arg7[%dma_start3A, %dma_start3A_25] : memref<40x128xi32, #tpu.memory_space<vmem>> -> memref<1x128xi32, #tpu.memory_space<vmem>>
    %dma_start3A_27 = tpu.memref_squeeze %dma_start3A_26 : memref<1x128xi32, #tpu.memory_space<vmem>> -> memref<128xi32, #tpu.memory_space<vmem>>
    %dma_start3A_28 = arith.constant 0 : i32
    %dma_start3A_29 = arith.constant 0 : i32
    %dma_start3A_30 = tpu.memref_slice %arg2[%dma_start3A_28, %dma_start3A_29] : memref<10000x128xf32, #tpu.memory_space<hbm>> -> memref<10000x128xf32, #tpu.memory_space<hbm>>
    tpu.enqueue_indirect_dma source(%dma_start3A_30 : memref<10000x128xf32, #tpu.memory_space<hbm>>) target(%arg9 : memref<128x128xf32, #tpu.memory_space<vmem>>) offsets(%dma_start3A_27 : memref<128xi32, #tpu.memory_space<vmem>>) semaphore(%arg11 : memref<!tpu.dma_semaphore, #tpu.memory_space<semaphore_mem>>)
    %scan3A_31 = arith.constant 0 : i32
    %scan3A_32 = arith.constant 0 : i32
    %scan3A_33 = arith.constant 20 : i32
    %scan3A_34 = arith.addi %scan3A_32, %scan3A_33 : i32
    %scan3A_35 = arith.constant 1 : i32
    scf.for %scan3A_61 = %scan3A_32 to %scan3A_34 step %scan3A_35  : i32 {
      %mul3A_62 = arith.constant 2 : i32
      %mul3A_63 = arith.muli %scan3A_61, %mul3A_62 : i32
      %add3A_64 = arith.constant 1 : i32
      %add3A_65 = arith.addi %mul3A_63, %add3A_64 : i32
      %dma_start3A_66 = arith.constant 0 : i32
      %dma_start3A_67 = tpu.memref_slice %arg7[%add3A_65, %dma_start3A_66] : memref<40x128xi32, #tpu.memory_space<vmem>> -> memref<1x128xi32, #tpu.memory_space<vmem>>
      %dma_start3A_68 = tpu.memref_squeeze %dma_start3A_67 : memref<1x128xi32, #tpu.memory_space<vmem>> -> memref<128xi32, #tpu.memory_space<vmem>>
      %dma_start3A_69 = arith.constant 0 : i32
      %dma_start3A_70 = arith.constant 0 : i32
      %dma_start3A_71 = tpu.memref_slice %arg2[%dma_start3A_69, %dma_start3A_70] : memref<10000x128xf32, #tpu.memory_space<hbm>> -> memref<10000x128xf32, #tpu.memory_space<hbm>>
      tpu.enqueue_indirect_dma source(%dma_start3A_71 : memref<10000x128xf32, #tpu.memory_space<hbm>>) target(%arg10 : memref<128x128xf32, #tpu.memory_space<vmem>>) offsets(%dma_start3A_68 : memref<128xi32, #tpu.memory_space<vmem>>) semaphore(%arg12 : memref<!tpu.dma_semaphore, #tpu.memory_space<semaphore_mem>>)
      %dma_wait3A = arith.constant 0 : i32
      %dma_wait3A_72 = arith.constant 0 : i32
      %dma_wait3A_73 = tpu.memref_slice %arg2[%dma_wait3A, %dma_wait3A_72] : memref<10000x128xf32, #tpu.memory_space<hbm>> -> memref<128x128xf32, #tpu.memory_space<hbm>>
      %dma_wait3A_74 = arith.constant 0 : i32
      %dma_wait3A_75 = arith.constant 0 : i32
      %dma_wait3A_76 = tpu.memref_slice %arg2[%dma_wait3A_74, %dma_wait3A_75] : memref<10000x128xf32, #tpu.memory_space<hbm>> -> memref<128x128xf32, #tpu.memory_space<hbm>>
      tpu.wait_dma2 semaphore(%arg11 : memref<!tpu.dma_semaphore, #tpu.memory_space<semaphore_mem>>) src(%dma_wait3A_76 : memref<128x128xf32, #tpu.memory_space<hbm>>) dst(%arg9 : memref<128x128xf32, #tpu.memory_space<vmem>>)
      "tpu.region"() ({
        %run_scoped3A = tpu.sem_alloc : memref<!tpu.dma_semaphore, #tpu.memory_space<semaphore_mem>>
        %dma_start3A_92 = arith.constant 0 : i32
        %dma_start3A_93 = tpu.memref_slice %arg8[%mul3A_63, %dma_start3A_92] : memref<40x128xi32, #tpu.memory_space<vmem>> -> memref<1x128xi32, #tpu.memory_space<vmem>>
        %dma_start3A_94 = tpu.memref_squeeze %dma_start3A_93 : memref<1x128xi32, #tpu.memory_space<vmem>> -> memref<128xi32, #tpu.memory_space<vmem>>
        %dma_start3A_95 = arith.constant 0 : i32
        %dma_start3A_96 = arith.constant 0 : i32
        %dma_start3A_97 = tpu.memref_slice %arg6[%dma_start3A_95, %dma_start3A_96] : memref<10240x128xf32, #tpu.memory_space<vmem_shared>> -> memref<10240x128xf32, #tpu.memory_space<vmem_shared>>
        tpu.enqueue_indirect_dma source(%arg9 : memref<128x128xf32, #tpu.memory_space<vmem>>) target(%dma_start3A_97 : memref<10240x128xf32, #tpu.memory_space<vmem_shared>>) offsets(%dma_start3A_94 : memref<128xi32, #tpu.memory_space<vmem>>) semaphore(%run_scoped3A : memref<!tpu.dma_semaphore, #tpu.memory_space<semaphore_mem>>) {add = true}
        %dma_wait3A_98 = arith.constant 0 : i32
        %dma_wait3A_99 = tpu.memref_slice %arg8[%mul3A_63, %dma_wait3A_98] : memref<40x128xi32, #tpu.memory_space<vmem>> -> memref<1x128xi32, #tpu.memory_space<vmem>>
        %dma_wait3A_100 = tpu.memref_squeeze %dma_wait3A_99 : memref<1x128xi32, #tpu.memory_space<vmem>> -> memref<128xi32, #tpu.memory_space<vmem>>
        %dma_wait3A_101 = arith.constant 0 : i32
        %dma_wait3A_102 = arith.constant 0 : i32
        %dma_wait3A_103 = tpu.memref_slice %arg6[%dma_wait3A_101, %dma_wait3A_102] : memref<10240x128xf32, #tpu.memory_space<vmem_shared>> -> memref<10240x128xf32, #tpu.memory_space<vmem_shared>>
        tpu.wait_indirect_dma semaphore(%run_scoped3A : memref<!tpu.dma_semaphore, #tpu.memory_space<semaphore_mem>>) src(%arg9 : memref<128x128xf32, #tpu.memory_space<vmem>>) dst(%dma_wait3A_103 : memref<10240x128xf32, #tpu.memory_space<vmem_shared>>)
        tpu.yield
      }) : () -> ()
      %add3A_77 = arith.constant 2 : i32
      %add3A_78 = arith.addi %mul3A_63, %add3A_77 : i32
      %lt3A_79 = arith.constant 40 : i32
      %lt3A_80 = arith.cmpi slt, %add3A_78, %lt3A_79 : i32
      %convert_element_type3A_81 = arith.extui %lt3A_80 : i1 to i32
      %cond3A_82 = arith.constant 0 : i32
      %cond3A_83 = arith.cmpi ne, %convert_element_type3A_81, %cond3A_82 : i32
      scf.if %cond3A_83 {
        %add3A_92 = arith.constant 2 : i32
        %add3A_93 = arith.addi %mul3A_63, %add3A_92 : i32
        %dma_start3A_94 = arith.constant 0 : i32
        %dma_start3A_95 = tpu.memref_slice %arg7[%add3A_93, %dma_start3A_94] : memref<40x128xi32, #tpu.memory_space<vmem>> -> memref<1x128xi32, #tpu.memory_space<vmem>>
        %dma_start3A_96 = tpu.memref_squeeze %dma_start3A_95 : memref<1x128xi32, #tpu.memory_space<vmem>> -> memref<128xi32, #tpu.memory_space<vmem>>
        %dma_start3A_97 = arith.constant 0 : i32
        %dma_start3A_98 = arith.constant 0 : i32
        %dma_start3A_99 = tpu.memref_slice %arg2[%dma_start3A_97, %dma_start3A_98] : memref<10000x128xf32, #tpu.memory_space<hbm>> -> memref<10000x128xf32, #tpu.memory_space<hbm>>
        tpu.enqueue_indirect_dma source(%dma_start3A_99 : memref<10000x128xf32, #tpu.memory_space<hbm>>) target(%arg9 : memref<128x128xf32, #tpu.memory_space<vmem>>) offsets(%dma_start3A_96 : memref<128xi32, #tpu.memory_space<vmem>>) semaphore(%arg11 : memref<!tpu.dma_semaphore, #tpu.memory_space<semaphore_mem>>)
      } else {
      }
      %dma_wait3A_84 = arith.constant 0 : i32
      %dma_wait3A_85 = tpu.memref_slice %arg7[%add3A_65, %dma_wait3A_84] : memref<40x128xi32, #tpu.memory_space<vmem>> -> memref<1x128xi32, #tpu.memory_space<vmem>>
      %dma_wait3A_86 = tpu.memref_squeeze %dma_wait3A_85 : memref<1x128xi32, #tpu.memory_space<vmem>> -> memref<128xi32, #tpu.memory_space<vmem>>
      %dma_wait3A_87 = arith.constant 0 : i32
      %dma_wait3A_88 = arith.constant 0 : i32
      %dma_wait3A_89 = tpu.memref_slice %arg2[%dma_wait3A_87, %dma_wait3A_88] : memref<10000x128xf32, #tpu.memory_space<hbm>> -> memref<10000x128xf32, #tpu.memory_space<hbm>>
      tpu.wait_indirect_dma semaphore(%arg12 : memref<!tpu.dma_semaphore, #tpu.memory_space<semaphore_mem>>) src(%dma_wait3A_89 : memref<10000x128xf32, #tpu.memory_space<hbm>>) dst(%arg10 : memref<128x128xf32, #tpu.memory_space<vmem>>)
      %add3A_90 = arith.constant 1 : i32
      %add3A_91 = arith.addi %mul3A_63, %add3A_90 : i32
      "tpu.region"() ({
        %run_scoped3A = tpu.sem_alloc : memref<!tpu.dma_semaphore, #tpu.memory_space<semaphore_mem>>
        %dma_start3A_92 = arith.constant 0 : i32
        %dma_start3A_93 = tpu.memref_slice %arg8[%add3A_91, %dma_start3A_92] : memref<40x128xi32, #tpu.memory_space<vmem>> -> memref<1x128xi32, #tpu.memory_space<vmem>>
        %dma_start3A_94 = tpu.memref_squeeze %dma_start3A_93 : memref<1x128xi32, #tpu.memory_space<vmem>> -> memref<128xi32, #tpu.memory_space<vmem>>
        %dma_start3A_95 = arith.constant 0 : i32
        %dma_start3A_96 = arith.constant 0 : i32
        %dma_start3A_97 = tpu.memref_slice %arg6[%dma_start3A_95, %dma_start3A_96] : memref<10240x128xf32, #tpu.memory_space<vmem_shared>> -> memref<10240x128xf32, #tpu.memory_space<vmem_shared>>
        tpu.enqueue_indirect_dma source(%arg10 : memref<128x128xf32, #tpu.memory_space<vmem>>) target(%dma_start3A_97 : memref<10240x128xf32, #tpu.memory_space<vmem_shared>>) offsets(%dma_start3A_94 : memref<128xi32, #tpu.memory_space<vmem>>) semaphore(%run_scoped3A : memref<!tpu.dma_semaphore, #tpu.memory_space<semaphore_mem>>) {add = true}
        %dma_wait3A_98 = arith.constant 0 : i32
        %dma_wait3A_99 = tpu.memref_slice %arg8[%add3A_91, %dma_wait3A_98] : memref<40x128xi32, #tpu.memory_space<vmem>> -> memref<1x128xi32, #tpu.memory_space<vmem>>
        %dma_wait3A_100 = tpu.memref_squeeze %dma_wait3A_99 : memref<1x128xi32, #tpu.memory_space<vmem>> -> memref<128xi32, #tpu.memory_space<vmem>>
        %dma_wait3A_101 = arith.constant 0 : i32
        %dma_wait3A_102 = arith.constant 0 : i32
        %dma_wait3A_103 = tpu.memref_slice %arg6[%dma_wait3A_101, %dma_wait3A_102] : memref<10240x128xf32, #tpu.memory_space<vmem_shared>> -> memref<10240x128xf32, #tpu.memory_space<vmem_shared>>
        tpu.wait_indirect_dma semaphore(%run_scoped3A : memref<!tpu.dma_semaphore, #tpu.memory_space<semaphore_mem>>) src(%arg10 : memref<128x128xf32, #tpu.memory_space<vmem>>) dst(%dma_wait3A_103 : memref<10240x128xf32, #tpu.memory_space<vmem_shared>>)
        tpu.yield
      }) : () -> ()
    }
    %scan3A_36 = arith.constant 20 : i32
    %add3A_37 = arith.constant 40 : i32
    %add3A_38 = arith.addi %add3A, %add3A_37 : i32
    "tpu.region"() ({
      %run_scoped3A = tpu.sem_alloc : memref<!tpu.dma_semaphore, #tpu.memory_space<semaphore_mem>>
      %dma_start3A_61 = arith.constant 0 : i32
      %dma_start3A_62 = tpu.memref_slice %arg3[%add3A_38, %dma_start3A_61] : memref<2560x128xi32, #tpu.memory_space<hbm>> -> memref<40x128xi32, #tpu.memory_space<hbm>>
      %dma_start3A_63 = arith.constant 0 : i32
      %dma_start3A_64 = tpu.memref_slice %arg3[%add3A_38, %dma_start3A_63] : memref<2560x128xi32, #tpu.memory_space<hbm>> -> memref<40x128xi32, #tpu.memory_space<hbm>>
      tpu.enqueue_dma source(%dma_start3A_64 : memref<40x128xi32, #tpu.memory_space<hbm>>) target(%arg7 : memref<40x128xi32, #tpu.memory_space<vmem>>) target_semaphore(%run_scoped3A : memref<!tpu.dma_semaphore, #tpu.memory_space<semaphore_mem>>)
      %dma_wait3A = arith.constant 0 : i32
      %dma_wait3A_65 = tpu.memref_slice %arg3[%add3A_38, %dma_wait3A] : memref<2560x128xi32, #tpu.memory_space<hbm>> -> memref<40x128xi32, #tpu.memory_space<hbm>>
      %dma_wait3A_66 = arith.constant 0 : i32
      %dma_wait3A_67 = tpu.memref_slice %arg3[%add3A_38, %dma_wait3A_66] : memref<2560x128xi32, #tpu.memory_space<hbm>> -> memref<40x128xi32, #tpu.memory_space<hbm>>
      tpu.wait_dma2 semaphore(%run_scoped3A : memref<!tpu.dma_semaphore, #tpu.memory_space<semaphore_mem>>) src(%dma_wait3A_67 : memref<40x128xi32, #tpu.memory_space<hbm>>) dst(%arg7 : memref<40x128xi32, #tpu.memory_space<vmem>>)
      tpu.yield
    }) : () -> ()
    %add3A_39 = arith.constant 40 : i32
    %add3A_40 = arith.addi %add3A, %add3A_39 : i32
    "tpu.region"() ({
      %run_scoped3A = tpu.sem_alloc : memref<!tpu.dma_semaphore, #tpu.memory_space<semaphore_mem>>
      %dma_start3A_61 = arith.constant 0 : i32
      %dma_start3A_62 = tpu.memref_slice %arg4[%add3A_40, %dma_start3A_61] : memref<2560x128xi32, #tpu.memory_space<hbm>> -> memref<40x128xi32, #tpu.memory_space<hbm>>
      %dma_start3A_63 = arith.constant 0 : i32
      %dma_start3A_64 = tpu.memref_slice %arg4[%add3A_40, %dma_start3A_63] : memref<2560x128xi32, #tpu.memory_space<hbm>> -> memref<40x128xi32, #tpu.memory_space<hbm>>
      tpu.enqueue_dma source(%dma_start3A_64 : memref<40x128xi32, #tpu.memory_space<hbm>>) target(%arg8 : memref<40x128xi32, #tpu.memory_space<vmem>>) target_semaphore(%run_scoped3A : memref<!tpu.dma_semaphore, #tpu.memory_space<semaphore_mem>>)
      %dma_wait3A = arith.constant 0 : i32
      %dma_wait3A_65 = tpu.memref_slice %arg4[%add3A_40, %dma_wait3A] : memref<2560x128xi32, #tpu.memory_space<hbm>> -> memref<40x128xi32, #tpu.memory_space<hbm>>
      %dma_wait3A_66 = arith.constant 0 : i32
      %dma_wait3A_67 = tpu.memref_slice %arg4[%add3A_40, %dma_wait3A_66] : memref<2560x128xi32, #tpu.memory_space<hbm>> -> memref<40x128xi32, #tpu.memory_space<hbm>>
      tpu.wait_dma2 semaphore(%run_scoped3A : memref<!tpu.dma_semaphore, #tpu.memory_space<semaphore_mem>>) src(%dma_wait3A_67 : memref<40x128xi32, #tpu.memory_space<hbm>>) dst(%arg8 : memref<40x128xi32, #tpu.memory_space<vmem>>)
      tpu.yield
    }) : () -> ()
    %dma_start3A_41 = arith.constant 0 : i32
    %dma_start3A_42 = arith.constant 0 : i32
    %dma_start3A_43 = tpu.memref_slice %arg7[%dma_start3A_41, %dma_start3A_42] : memref<40x128xi32, #tpu.memory_space<vmem>> -> memref<1x128xi32, #tpu.memory_space<vmem>>
    %dma_start3A_44 = tpu.memref_squeeze %dma_start3A_43 : memref<1x128xi32, #tpu.memory_space<vmem>> -> memref<128xi32, #tpu.memory_space<vmem>>
    %dma_start3A_45 = arith.constant 0 : i32
    %dma_start3A_46 = arith.constant 0 : i32
    %dma_start3A_47 = tpu.memref_slice %arg2[%dma_start3A_45, %dma_start3A_46] : memref<10000x128xf32, #tpu.memory_space<hbm>> -> memref<10000x128xf32, #tpu.memory_space<hbm>>
    tpu.enqueue_indirect_dma source(%dma_start3A_47 : memref<10000x128xf32, #tpu.memory_space<hbm>>) target(%arg9 : memref<128x128xf32, #tpu.memory_space<vmem>>) offsets(%dma_start3A_44 : memref<128xi32, #tpu.memory_space<vmem>>) semaphore(%arg11 : memref<!tpu.dma_semaphore, #tpu.memory_space<semaphore_mem>>)
    %scan3A_48 = arith.constant 0 : i32
    %scan3A_49 = arith.constant 0 : i32
    %scan3A_50 = arith.constant 20 : i32
    %scan3A_51 = arith.addi %scan3A_49, %scan3A_50 : i32
    %scan3A_52 = arith.constant 1 : i32
    scf.for %scan3A_61 = %scan3A_49 to %scan3A_51 step %scan3A_52  : i32 {
      %mul3A_62 = arith.constant 2 : i32
      %mul3A_63 = arith.muli %scan3A_61, %mul3A_62 : i32
      %add3A_64 = arith.constant 1 : i32
      %add3A_65 = arith.addi %mul3A_63, %add3A_64 : i32
      %dma_start3A_66 = arith.constant 0 : i32
      %dma_start3A_67 = tpu.memref_slice %arg7[%add3A_65, %dma_start3A_66] : memref<40x128xi32, #tpu.memory_space<vmem>> -> memref<1x128xi32, #tpu.memory_space<vmem>>
      %dma_start3A_68 = tpu.memref_squeeze %dma_start3A_67 : memref<1x128xi32, #tpu.memory_space<vmem>> -> memref<128xi32, #tpu.memory_space<vmem>>
      %dma_start3A_69 = arith.constant 0 : i32
      %dma_start3A_70 = arith.constant 0 : i32
      %dma_start3A_71 = tpu.memref_slice %arg2[%dma_start3A_69, %dma_start3A_70] : memref<10000x128xf32, #tpu.memory_space<hbm>> -> memref<10000x128xf32, #tpu.memory_space<hbm>>
      tpu.enqueue_indirect_dma source(%dma_start3A_71 : memref<10000x128xf32, #tpu.memory_space<hbm>>) target(%arg10 : memref<128x128xf32, #tpu.memory_space<vmem>>) offsets(%dma_start3A_68 : memref<128xi32, #tpu.memory_space<vmem>>) semaphore(%arg12 : memref<!tpu.dma_semaphore, #tpu.memory_space<semaphore_mem>>)
      %dma_wait3A = arith.constant 0 : i32
      %dma_wait3A_72 = arith.constant 0 : i32
      %dma_wait3A_73 = tpu.memref_slice %arg2[%dma_wait3A, %dma_wait3A_72] : memref<10000x128xf32, #tpu.memory_space<hbm>> -> memref<128x128xf32, #tpu.memory_space<hbm>>
      %dma_wait3A_74 = arith.constant 0 : i32
      %dma_wait3A_75 = arith.constant 0 : i32
      %dma_wait3A_76 = tpu.memref_slice %arg2[%dma_wait3A_74, %dma_wait3A_75] : memref<10000x128xf32, #tpu.memory_space<hbm>> -> memref<128x128xf32, #tpu.memory_space<hbm>>
      tpu.wait_dma2 semaphore(%arg11 : memref<!tpu.dma_semaphore, #tpu.memory_space<semaphore_mem>>) src(%dma_wait3A_76 : memref<128x128xf32, #tpu.memory_space<hbm>>) dst(%arg9 : memref<128x128xf32, #tpu.memory_space<vmem>>)
      "tpu.region"() ({
        %run_scoped3A = tpu.sem_alloc : memref<!tpu.dma_semaphore, #tpu.memory_space<semaphore_mem>>
        %dma_start3A_92 = arith.constant 0 : i32
        %dma_start3A_93 = tpu.memref_slice %arg8[%mul3A_63, %dma_start3A_92] : memref<40x128xi32, #tpu.memory_space<vmem>> -> memref<1x128xi32, #tpu.memory_space<vmem>>
        %dma_start3A_94 = tpu.memref_squeeze %dma_start3A_93 : memref<1x128xi32, #tpu.memory_space<vmem>> -> memref<128xi32, #tpu.memory_space<vmem>>
        %dma_start3A_95 = arith.constant 0 : i32
        %dma_start3A_96 = arith.constant 0 : i32
        %dma_start3A_97 = tpu.memref_slice %arg6[%dma_start3A_95, %dma_start3A_96] : memref<10240x128xf32, #tpu.memory_space<vmem_shared>> -> memref<10240x128xf32, #tpu.memory_space<vmem_shared>>
        tpu.enqueue_indirect_dma source(%arg9 : memref<128x128xf32, #tpu.memory_space<vmem>>) target(%dma_start3A_97 : memref<10240x128xf32, #tpu.memory_space<vmem_shared>>) offsets(%dma_start3A_94 : memref<128xi32, #tpu.memory_space<vmem>>) semaphore(%run_scoped3A : memref<!tpu.dma_semaphore, #tpu.memory_space<semaphore_mem>>) {add = true}
        %dma_wait3A_98 = arith.constant 0 : i32
        %dma_wait3A_99 = tpu.memref_slice %arg8[%mul3A_63, %dma_wait3A_98] : memref<40x128xi32, #tpu.memory_space<vmem>> -> memref<1x128xi32, #tpu.memory_space<vmem>>
        %dma_wait3A_100 = tpu.memref_squeeze %dma_wait3A_99 : memref<1x128xi32, #tpu.memory_space<vmem>> -> memref<128xi32, #tpu.memory_space<vmem>>
        %dma_wait3A_101 = arith.constant 0 : i32
        %dma_wait3A_102 = arith.constant 0 : i32
        %dma_wait3A_103 = tpu.memref_slice %arg6[%dma_wait3A_101, %dma_wait3A_102] : memref<10240x128xf32, #tpu.memory_space<vmem_shared>> -> memref<10240x128xf32, #tpu.memory_space<vmem_shared>>
        tpu.wait_indirect_dma semaphore(%run_scoped3A : memref<!tpu.dma_semaphore, #tpu.memory_space<semaphore_mem>>) src(%arg9 : memref<128x128xf32, #tpu.memory_space<vmem>>) dst(%dma_wait3A_103 : memref<10240x128xf32, #tpu.memory_space<vmem_shared>>)
        tpu.yield
      }) : () -> ()
      %add3A_77 = arith.constant 2 : i32
      %add3A_78 = arith.addi %mul3A_63, %add3A_77 : i32
      %lt3A_79 = arith.constant 40 : i32
      %lt3A_80 = arith.cmpi slt, %add3A_78, %lt3A_79 : i32
      %convert_element_type3A_81 = arith.extui %lt3A_80 : i1 to i32
      %cond3A_82 = arith.constant 0 : i32
      %cond3A_83 = arith.cmpi ne, %convert_element_type3A_81, %cond3A_82 : i32
      scf.if %cond3A_83 {
        %add3A_92 = arith.constant 2 : i32
        %add3A_93 = arith.addi %mul3A_63, %add3A_92 : i32
        %dma_start3A_94 = arith.constant 0 : i32
        %dma_start3A_95 = tpu.memref_slice %arg7[%add3A_93, %dma_start3A_94] : memref<40x128xi32, #tpu.memory_space<vmem>> -> memref<1x128xi32, #tpu.memory_space<vmem>>
        %dma_start3A_96 = tpu.memref_squeeze %dma_start3A_95 : memref<1x128xi32, #tpu.memory_space<vmem>> -> memref<128xi32, #tpu.memory_space<vmem>>
        %dma_start3A_97 = arith.constant 0 : i32
        %dma_start3A_98 = arith.constant 0 : i32
        %dma_start3A_99 = tpu.memref_slice %arg2[%dma_start3A_97, %dma_start3A_98] : memref<10000x128xf32, #tpu.memory_space<hbm>> -> memref<10000x128xf32, #tpu.memory_space<hbm>>
        tpu.enqueue_indirect_dma source(%dma_start3A_99 : memref<10000x128xf32, #tpu.memory_space<hbm>>) target(%arg9 : memref<128x128xf32, #tpu.memory_space<vmem>>) offsets(%dma_start3A_96 : memref<128xi32, #tpu.memory_space<vmem>>) semaphore(%arg11 : memref<!tpu.dma_semaphore, #tpu.memory_space<semaphore_mem>>)
      } else {
      }
      %dma_wait3A_84 = arith.constant 0 : i32
      %dma_wait3A_85 = tpu.memref_slice %arg7[%add3A_65, %dma_wait3A_84] : memref<40x128xi32, #tpu.memory_space<vmem>> -> memref<1x128xi32, #tpu.memory_space<vmem>>
      %dma_wait3A_86 = tpu.memref_squeeze %dma_wait3A_85 : memref<1x128xi32, #tpu.memory_space<vmem>> -> memref<128xi32, #tpu.memory_space<vmem>>
      %dma_wait3A_87 = arith.constant 0 : i32
      %dma_wait3A_88 = arith.constant 0 : i32
      %dma_wait3A_89 = tpu.memref_slice %arg2[%dma_wait3A_87, %dma_wait3A_88] : memref<10000x128xf32, #tpu.memory_space<hbm>> -> memref<10000x128xf32, #tpu.memory_space<hbm>>
      tpu.wait_indirect_dma semaphore(%arg12 : memref<!tpu.dma_semaphore, #tpu.memory_space<semaphore_mem>>) src(%dma_wait3A_89 : memref<10000x128xf32, #tpu.memory_space<hbm>>) dst(%arg10 : memref<128x128xf32, #tpu.memory_space<vmem>>)
      %add3A_90 = arith.constant 1 : i32
      %add3A_91 = arith.addi %mul3A_63, %add3A_90 : i32
      "tpu.region"() ({
        %run_scoped3A = tpu.sem_alloc : memref<!tpu.dma_semaphore, #tpu.memory_space<semaphore_mem>>
        %dma_start3A_92 = arith.constant 0 : i32
        %dma_start3A_93 = tpu.memref_slice %arg8[%add3A_91, %dma_start3A_92] : memref<40x128xi32, #tpu.memory_space<vmem>> -> memref<1x128xi32, #tpu.memory_space<vmem>>
        %dma_start3A_94 = tpu.memref_squeeze %dma_start3A_93 : memref<1x128xi32, #tpu.memory_space<vmem>> -> memref<128xi32, #tpu.memory_space<vmem>>
        %dma_start3A_95 = arith.constant 0 : i32
        %dma_start3A_96 = arith.constant 0 : i32
        %dma_start3A_97 = tpu.memref_slice %arg6[%dma_start3A_95, %dma_start3A_96] : memref<10240x128xf32, #tpu.memory_space<vmem_shared>> -> memref<10240x128xf32, #tpu.memory_space<vmem_shared>>
        tpu.enqueue_indirect_dma source(%arg10 : memref<128x128xf32, #tpu.memory_space<vmem>>) target(%dma_start3A_97 : memref<10240x128xf32, #tpu.memory_space<vmem_shared>>) offsets(%dma_start3A_94 : memref<128xi32, #tpu.memory_space<vmem>>) semaphore(%run_scoped3A : memref<!tpu.dma_semaphore, #tpu.memory_space<semaphore_mem>>) {add = true}
        %dma_wait3A_98 = arith.constant 0 : i32
        %dma_wait3A_99 = tpu.memref_slice %arg8[%add3A_91, %dma_wait3A_98] : memref<40x128xi32, #tpu.memory_space<vmem>> -> memref<1x128xi32, #tpu.memory_space<vmem>>
        %dma_wait3A_100 = tpu.memref_squeeze %dma_wait3A_99 : memref<1x128xi32, #tpu.memory_space<vmem>> -> memref<128xi32, #tpu.memory_space<vmem>>
        %dma_wait3A_101 = arith.constant 0 : i32
        %dma_wait3A_102 = arith.constant 0 : i32
        %dma_wait3A_103 = tpu.memref_slice %arg6[%dma_wait3A_101, %dma_wait3A_102] : memref<10240x128xf32, #tpu.memory_space<vmem_shared>> -> memref<10240x128xf32, #tpu.memory_space<vmem_shared>>
        tpu.wait_indirect_dma semaphore(%run_scoped3A : memref<!tpu.dma_semaphore, #tpu.memory_space<semaphore_mem>>) src(%arg10 : memref<128x128xf32, #tpu.memory_space<vmem>>) dst(%dma_wait3A_103 : memref<10240x128xf32, #tpu.memory_space<vmem_shared>>)
        tpu.yield
      }) : () -> ()
    }
    %scan3A_53 = arith.constant 20 : i32
    %barrier3A_54 = arith.constant 0 : index
    tpu.barrier barrier_id(%barrier3A_54)
    %lt3A = arith.constant 15 : i32
    %lt3A_55 = arith.cmpi slt, %arg1, %lt3A : i32
    %convert_element_type3A = arith.extui %lt3A_55 : i1 to i32
    %cond3A = arith.constant 0 : i32
    %cond3A_56 = arith.cmpi ne, %convert_element_type3A, %cond3A : i32
    scf.if %cond3A_56 {
      "tpu.region"() ({
        %run_scoped3A = tpu.sem_alloc : memref<!tpu.dma_semaphore, #tpu.memory_space<semaphore_mem>>
        %dma_start3A_61 = arith.constant 0 : i32
        %dma_start3A_62 = arith.constant 0 : i32
        %dma_start3A_63 = tpu.memref_slice %arg5[%arg0, %dma_start3A_61, %dma_start3A_62] : memref<2x10000x128xf32, #tpu.memory_space<hbm>> -> memref<1x10000x128xf32, #tpu.memory_space<hbm>>
        %dma_start3A_64 = tpu.memref_squeeze %dma_start3A_63 : memref<1x10000x128xf32, #tpu.memory_space<hbm>> -> memref<10000x128xf32, #tpu.memory_space<hbm>>
        %dma_start3A_65 = arith.constant 0 : i32
        %dma_start3A_66 = tpu.memref_slice %dma_start3A_64[%mul3A_0, %dma_start3A_65] : memref<10000x128xf32, #tpu.memory_space<hbm>> -> memref<640x128xf32, #tpu.memory_space<hbm>>
        %dma_start3A_67 = arith.constant 0 : i32
        %dma_start3A_68 = tpu.memref_slice %arg6[%mul3A_0, %dma_start3A_67] : memref<10240x128xf32, #tpu.memory_space<vmem_shared>> -> memref<640x128xf32, #tpu.memory_space<vmem_shared>>
        tpu.enqueue_dma source(%dma_start3A_68 : memref<640x128xf32, #tpu.memory_space<vmem_shared>>) target(%dma_start3A_66 : memref<640x128xf32, #tpu.memory_space<hbm>>) target_semaphore(%run_scoped3A : memref<!tpu.dma_semaphore, #tpu.memory_space<semaphore_mem>>)
        %dma_wait3A = arith.constant 0 : i32
        %dma_wait3A_69 = arith.constant 0 : i32
        %dma_wait3A_70 = tpu.memref_slice %arg5[%arg0, %dma_wait3A, %dma_wait3A_69] : memref<2x10000x128xf32, #tpu.memory_space<hbm>> -> memref<1x10000x128xf32, #tpu.memory_space<hbm>>
        %dma_wait3A_71 = tpu.memref_squeeze %dma_wait3A_70 : memref<1x10000x128xf32, #tpu.memory_space<hbm>> -> memref<10000x128xf32, #tpu.memory_space<hbm>>
        %dma_wait3A_72 = arith.constant 0 : i32
        %dma_wait3A_73 = tpu.memref_slice %dma_wait3A_71[%mul3A_0, %dma_wait3A_72] : memref<10000x128xf32, #tpu.memory_space<hbm>> -> memref<640x128xf32, #tpu.memory_space<hbm>>
        %dma_wait3A_74 = arith.constant 0 : i32
        %dma_wait3A_75 = tpu.memref_slice %arg6[%mul3A_0, %dma_wait3A_74] : memref<10240x128xf32, #tpu.memory_space<vmem_shared>> -> memref<640x128xf32, #tpu.memory_space<vmem_shared>>
        tpu.wait_dma2 semaphore(%run_scoped3A : memref<!tpu.dma_semaphore, #tpu.memory_space<semaphore_mem>>) src(%dma_wait3A_75 : memref<640x128xf32, #tpu.memory_space<vmem_shared>>) dst(%dma_wait3A_73 : memref<640x128xf32, #tpu.memory_space<hbm>>)
        tpu.yield
      }) : () -> ()
    } else {
    }
    %eq3A = arith.constant 15 : i32
    %eq3A_57 = arith.cmpi eq, %arg1, %eq3A : i32
    %convert_element_type3A_58 = arith.extui %eq3A_57 : i1 to i32
    %cond3A_59 = arith.constant 0 : i32
    %cond3A_60 = arith.cmpi ne, %convert_element_type3A_58, %cond3A_59 : i32
    scf.if %cond3A_60 {
      "tpu.region"() ({
        %run_scoped3A = tpu.sem_alloc : memref<!tpu.dma_semaphore, #tpu.memory_space<semaphore_mem>>
        %dma_start3A_61 = arith.constant 0 : i32
        %dma_start3A_62 = arith.constant 0 : i32
        %dma_start3A_63 = tpu.memref_slice %arg5[%arg0, %dma_start3A_61, %dma_start3A_62] : memref<2x10000x128xf32, #tpu.memory_space<hbm>> -> memref<1x10000x128xf32, #tpu.memory_space<hbm>>
        %dma_start3A_64 = tpu.memref_squeeze %dma_start3A_63 : memref<1x10000x128xf32, #tpu.memory_space<hbm>> -> memref<10000x128xf32, #tpu.memory_space<hbm>>
        %dma_start3A_65 = arith.constant 9600 : i32
        %dma_start3A_66 = arith.constant 0 : i32
        %dma_start3A_67 = tpu.memref_slice %dma_start3A_64[%dma_start3A_65, %dma_start3A_66] : memref<10000x128xf32, #tpu.memory_space<hbm>> -> memref<400x128xf32, #tpu.memory_space<hbm>>
        %dma_start3A_68 = arith.constant 9600 : i32
        %dma_start3A_69 = arith.constant 0 : i32
        %dma_start3A_70 = tpu.memref_slice %arg6[%dma_start3A_68, %dma_start3A_69] : memref<10240x128xf32, #tpu.memory_space<vmem_shared>> -> memref<400x128xf32, #tpu.memory_space<vmem_shared>>
        tpu.enqueue_dma source(%dma_start3A_70 : memref<400x128xf32, #tpu.memory_space<vmem_shared>>) target(%dma_start3A_67 : memref<400x128xf32, #tpu.memory_space<hbm>>) target_semaphore(%run_scoped3A : memref<!tpu.dma_semaphore, #tpu.memory_space<semaphore_mem>>)
        %dma_wait3A = arith.constant 0 : i32
        %dma_wait3A_71 = arith.constant 0 : i32
        %dma_wait3A_72 = tpu.memref_slice %arg5[%arg0, %dma_wait3A, %dma_wait3A_71] : memref<2x10000x128xf32, #tpu.memory_space<hbm>> -> memref<1x10000x128xf32, #tpu.memory_space<hbm>>
        %dma_wait3A_73 = tpu.memref_squeeze %dma_wait3A_72 : memref<1x10000x128xf32, #tpu.memory_space<hbm>> -> memref<10000x128xf32, #tpu.memory_space<hbm>>
        %dma_wait3A_74 = arith.constant 9600 : i32
        %dma_wait3A_75 = arith.constant 0 : i32
        %dma_wait3A_76 = tpu.memref_slice %dma_wait3A_73[%dma_wait3A_74, %dma_wait3A_75] : memref<10000x128xf32, #tpu.memory_space<hbm>> -> memref<400x128xf32, #tpu.memory_space<hbm>>
        %dma_wait3A_77 = arith.constant 9600 : i32
        %dma_wait3A_78 = arith.constant 0 : i32
        %dma_wait3A_79 = tpu.memref_slice %arg6[%dma_wait3A_77, %dma_wait3A_78] : memref<10240x128xf32, #tpu.memory_space<vmem_shared>> -> memref<400x128xf32, #tpu.memory_space<vmem_shared>>
        tpu.wait_dma2 semaphore(%run_scoped3A : memref<!tpu.dma_semaphore, #tpu.memory_space<semaphore_mem>>) src(%dma_wait3A_79 : memref<400x128xf32, #tpu.memory_space<vmem_shared>>) dst(%dma_wait3A_76 : memref<400x128xf32, #tpu.memory_space<hbm>>)
        tpu.yield
      }) : () -> ()
    } else {
    }
    return
  }
}

#map = affine_map<(d0, d1) -> (0, 0)>
#map1 = affine_map<(d0, d1) -> (0, 0, 0)>
module attributes {stable_mosaic.version = 14 : i64} {
  func.func @agg(%arg0: i32, %arg1: i32, %arg2: memref<10000x128xf32, #tpu.memory_space<hbm>>, %arg3: memref<2560x128xi32, #tpu.memory_space<hbm>>, %arg4: memref<2560x128xi32, #tpu.memory_space<hbm>>, %arg5: memref<2x10000x128xf32, #tpu.memory_space<hbm>>, %arg6: memref<10240x128xf32, #tpu.memory_space<vmem_shared>>, %arg7: memref<40x128xi32, #tpu.memory_space<vmem>>, %arg8: memref<40x128xi32, #tpu.memory_space<vmem>>, %arg9: memref<128x128xf32, #tpu.memory_space<vmem>>, %arg10: memref<128x128xf32, #tpu.memory_space<vmem>>, %arg11: memref<!tpu.dma_semaphore, #tpu.memory_space<semaphore_mem>>, %arg12: memref<!tpu.dma_semaphore, #tpu.memory_space<semaphore_mem>>) attributes {dimension_semantics = [#tpu.dimension_semantics<core_parallel>, #tpu.dimension_semantics<subcore_parallel>], iteration_bounds = array<i64: 2, 16>, scalar_prefetch = 0 : i64, scratch_operands = 7 : i64, tpu.core_type = #tpu.core_type<sc_vector_subcore>, window_params = [{transform_indices = #map}, {transform_indices = #map}, {transform_indices = #map}, {transform_indices = #map1}]} {
    %mul3A = arith.constant 640 : i32
    %mul3A_0 = arith.muli %arg1, %mul3A : i32
    %mul3A_1 = arith.constant 1280 : i32
    %mul3A_2 = arith.muli %arg0, %mul3A_1 : i32
    %mul3A_3 = arith.constant 80 : i32
    %mul3A_4 = arith.muli %arg1, %mul3A_3 : i32
    %add3A = arith.addi %mul3A_2, %mul3A_4 : i32
    %broadcast_in_dim3A = arith.constant 0.000000e+00 : f32
    %broadcast_in_dim3A_5 = vector.broadcast %broadcast_in_dim3A : f32 to vector<16xf32>
    %scan3A = arith.constant 0 : i32
    %scan3A_6 = arith.constant 0 : i32
    %scan3A_7 = arith.constant 1024 : i32
    %scan3A_8 = arith.addi %scan3A_6, %scan3A_7 : i32
    %scan3A_9 = arith.constant 1 : i32
    scf.for %scan3A_61 = %scan3A_6 to %scan3A_8 step %scan3A_9  : i32 {
      %shift_right_arithmetic3A = arith.constant 3 : i32
      %shift_right_arithmetic3A_62 = arith.shrsi %scan3A_61, %shift_right_arithmetic3A : i32
      %and3A = arith.constant 7 : i32
      %and3A_63 = arith.andi %scan3A_61, %and3A : i32
      %mul3A_64 = arith.constant 16 : i32
      %mul3A_65 = arith.muli %and3A_63, %mul3A_64 : i32
      %swap3A = arith.index_cast %shift_right_arithmetic3A_62 : i32 to index
      %swap3A_66 = arith.index_cast %mul3A_65 : i32 to index
      %swap3A_67 = tpu.vector_load %arg9[%swap3A, %swap3A_66] {strides = array<i32>} : memref<128x128xf32, #tpu.memory_space<vmem>>, vector<1x16xf32>,
      %swap3A_68 = vector.shape_cast %swap3A_67 : vector<1x16xf32> to vector<16xf32>
      %swap3A_69 = vector.shape_cast %broadcast_in_dim3A_5 : vector<16xf32> to vector<1x16xf32>
      tpu.vector_store %arg9[%swap3A, %swap3A_66], %swap3A_69 {strides = array<i32>} : memref<128x128xf32, #tpu.memory_space<vmem>>, vector<1x16xf32>,
    }
    %scan3A_10 = arith.constant 1024 : i32
    %add3A_11 = arith.constant 0 : i32
    %add3A_12 = arith.addi %mul3A_0, %add3A_11 : i32
    "tpu.region"() ({
      %run_scoped3A = tpu.sem_alloc : memref<!tpu.dma_semaphore, #tpu.memory_space<semaphore_mem>>
      %dma_start3A_61 = arith.constant 0 : i32
      %dma_start3A_62 = tpu.memref_slice %arg6[%add3A_12, %dma_start3A_61] : memref<10240x128xf32, #tpu.memory_space<vmem_shared>> -> memref<128x128xf32, #tpu.memory_space<vmem_shared>>
      %dma_start3A_63 = arith.constant 0 : i32
      %dma_start3A_64 = tpu.memref_slice %arg6[%add3A_12, %dma_start3A_63] : memref<10240x128xf32, #tpu.memory_space<vmem_shared>> -> memref<128x128xf32, #tpu.memory_space<vmem_shared>>
      tpu.enqueue_dma source(%arg9 : memref<128x128xf32, #tpu.memory_space<vmem>>) target(%dma_start3A_64 : memref<128x128xf32, #tpu.memory_space<vmem_shared>>) target_semaphore(%run_scoped3A : memref<!tpu.dma_semaphore, #tpu.memory_space<semaphore_mem>>)
      %dma_wait3A = arith.constant 0 : i32
      %dma_wait3A_65 = tpu.memref_slice %arg6[%add3A_12, %dma_wait3A] : memref<10240x128xf32, #tpu.memory_space<vmem_shared>> -> memref<128x128xf32, #tpu.memory_space<vmem_shared>>
      %dma_wait3A_66 = arith.constant 0 : i32
      %dma_wait3A_67 = tpu.memref_slice %arg6[%add3A_12, %dma_wait3A_66] : memref<10240x128xf32, #tpu.memory_space<vmem_shared>> -> memref<128x128xf32, #tpu.memory_space<vmem_shared>>
      tpu.wait_dma2 semaphore(%run_scoped3A : memref<!tpu.dma_semaphore, #tpu.memory_space<semaphore_mem>>) src(%arg9 : memref<128x128xf32, #tpu.memory_space<vmem>>) dst(%dma_wait3A_67 : memref<128x128xf32, #tpu.memory_space<vmem_shared>>)
      tpu.yield
    }) : () -> ()
    %add3A_13 = arith.constant 128 : i32
    %add3A_14 = arith.addi %mul3A_0, %add3A_13 : i32
    "tpu.region"() ({
      %run_scoped3A = tpu.sem_alloc : memref<!tpu.dma_semaphore, #tpu.memory_space<semaphore_mem>>
      %dma_start3A_61 = arith.constant 0 : i32
      %dma_start3A_62 = tpu.memref_slice %arg6[%add3A_14, %dma_start3A_61] : memref<10240x128xf32, #tpu.memory_space<vmem_shared>> -> memref<128x128xf32, #tpu.memory_space<vmem_shared>>
      %dma_start3A_63 = arith.constant 0 : i32
      %dma_start3A_64 = tpu.memref_slice %arg6[%add3A_14, %dma_start3A_63] : memref<10240x128xf32, #tpu.memory_space<vmem_shared>> -> memref<128x128xf32, #tpu.memory_space<vmem_shared>>
      tpu.enqueue_dma source(%arg9 : memref<128x128xf32, #tpu.memory_space<vmem>>) target(%dma_start3A_64 : memref<128x128xf32, #tpu.memory_space<vmem_shared>>) target_semaphore(%run_scoped3A : memref<!tpu.dma_semaphore, #tpu.memory_space<semaphore_mem>>)
      %dma_wait3A = arith.constant 0 : i32
      %dma_wait3A_65 = tpu.memref_slice %arg6[%add3A_14, %dma_wait3A] : memref<10240x128xf32, #tpu.memory_space<vmem_shared>> -> memref<128x128xf32, #tpu.memory_space<vmem_shared>>
      %dma_wait3A_66 = arith.constant 0 : i32
      %dma_wait3A_67 = tpu.memref_slice %arg6[%add3A_14, %dma_wait3A_66] : memref<10240x128xf32, #tpu.memory_space<vmem_shared>> -> memref<128x128xf32, #tpu.memory_space<vmem_shared>>
      tpu.wait_dma2 semaphore(%run_scoped3A : memref<!tpu.dma_semaphore, #tpu.memory_space<semaphore_mem>>) src(%arg9 : memref<128x128xf32, #tpu.memory_space<vmem>>) dst(%dma_wait3A_67 : memref<128x128xf32, #tpu.memory_space<vmem_shared>>)
      tpu.yield
    }) : () -> ()
    %add3A_15 = arith.constant 256 : i32
    %add3A_16 = arith.addi %mul3A_0, %add3A_15 : i32
    "tpu.region"() ({
      %run_scoped3A = tpu.sem_alloc : memref<!tpu.dma_semaphore, #tpu.memory_space<semaphore_mem>>
      %dma_start3A_61 = arith.constant 0 : i32
      %dma_start3A_62 = tpu.memref_slice %arg6[%add3A_16, %dma_start3A_61] : memref<10240x128xf32, #tpu.memory_space<vmem_shared>> -> memref<128x128xf32, #tpu.memory_space<vmem_shared>>
      %dma_start3A_63 = arith.constant 0 : i32
      %dma_start3A_64 = tpu.memref_slice %arg6[%add3A_16, %dma_start3A_63] : memref<10240x128xf32, #tpu.memory_space<vmem_shared>> -> memref<128x128xf32, #tpu.memory_space<vmem_shared>>
      tpu.enqueue_dma source(%arg9 : memref<128x128xf32, #tpu.memory_space<vmem>>) target(%dma_start3A_64 : memref<128x128xf32, #tpu.memory_space<vmem_shared>>) target_semaphore(%run_scoped3A : memref<!tpu.dma_semaphore, #tpu.memory_space<semaphore_mem>>)
      %dma_wait3A = arith.constant 0 : i32
      %dma_wait3A_65 = tpu.memref_slice %arg6[%add3A_16, %dma_wait3A] : memref<10240x128xf32, #tpu.memory_space<vmem_shared>> -> memref<128x128xf32, #tpu.memory_space<vmem_shared>>
      %dma_wait3A_66 = arith.constant 0 : i32
      %dma_wait3A_67 = tpu.memref_slice %arg6[%add3A_16, %dma_wait3A_66] : memref<10240x128xf32, #tpu.memory_space<vmem_shared>> -> memref<128x128xf32, #tpu.memory_space<vmem_shared>>
      tpu.wait_dma2 semaphore(%run_scoped3A : memref<!tpu.dma_semaphore, #tpu.memory_space<semaphore_mem>>) src(%arg9 : memref<128x128xf32, #tpu.memory_space<vmem>>) dst(%dma_wait3A_67 : memref<128x128xf32, #tpu.memory_space<vmem_shared>>)
      tpu.yield
    }) : () -> ()
    %add3A_17 = arith.constant 384 : i32
    %add3A_18 = arith.addi %mul3A_0, %add3A_17 : i32
    "tpu.region"() ({
      %run_scoped3A = tpu.sem_alloc : memref<!tpu.dma_semaphore, #tpu.memory_space<semaphore_mem>>
      %dma_start3A_61 = arith.constant 0 : i32
      %dma_start3A_62 = tpu.memref_slice %arg6[%add3A_18, %dma_start3A_61] : memref<10240x128xf32, #tpu.memory_space<vmem_shared>> -> memref<128x128xf32, #tpu.memory_space<vmem_shared>>
      %dma_start3A_63 = arith.constant 0 : i32
      %dma_start3A_64 = tpu.memref_slice %arg6[%add3A_18, %dma_start3A_63] : memref<10240x128xf32, #tpu.memory_space<vmem_shared>> -> memref<128x128xf32, #tpu.memory_space<vmem_shared>>
      tpu.enqueue_dma source(%arg9 : memref<128x128xf32, #tpu.memory_space<vmem>>) target(%dma_start3A_64 : memref<128x128xf32, #tpu.memory_space<vmem_shared>>) target_semaphore(%run_scoped3A : memref<!tpu.dma_semaphore, #tpu.memory_space<semaphore_mem>>)
      %dma_wait3A = arith.constant 0 : i32
      %dma_wait3A_65 = tpu.memref_slice %arg6[%add3A_18, %dma_wait3A] : memref<10240x128xf32, #tpu.memory_space<vmem_shared>> -> memref<128x128xf32, #tpu.memory_space<vmem_shared>>
      %dma_wait3A_66 = arith.constant 0 : i32
      %dma_wait3A_67 = tpu.memref_slice %arg6[%add3A_18, %dma_wait3A_66] : memref<10240x128xf32, #tpu.memory_space<vmem_shared>> -> memref<128x128xf32, #tpu.memory_space<vmem_shared>>
      tpu.wait_dma2 semaphore(%run_scoped3A : memref<!tpu.dma_semaphore, #tpu.memory_space<semaphore_mem>>) src(%arg9 : memref<128x128xf32, #tpu.memory_space<vmem>>) dst(%dma_wait3A_67 : memref<128x128xf32, #tpu.memory_space<vmem_shared>>)
      tpu.yield
    }) : () -> ()
    %add3A_19 = arith.constant 512 : i32
    %add3A_20 = arith.addi %mul3A_0, %add3A_19 : i32
    "tpu.region"() ({
      %run_scoped3A = tpu.sem_alloc : memref<!tpu.dma_semaphore, #tpu.memory_space<semaphore_mem>>
      %dma_start3A_61 = arith.constant 0 : i32
      %dma_start3A_62 = tpu.memref_slice %arg6[%add3A_20, %dma_start3A_61] : memref<10240x128xf32, #tpu.memory_space<vmem_shared>> -> memref<128x128xf32, #tpu.memory_space<vmem_shared>>
      %dma_start3A_63 = arith.constant 0 : i32
      %dma_start3A_64 = tpu.memref_slice %arg6[%add3A_20, %dma_start3A_63] : memref<10240x128xf32, #tpu.memory_space<vmem_shared>> -> memref<128x128xf32, #tpu.memory_space<vmem_shared>>
      tpu.enqueue_dma source(%arg9 : memref<128x128xf32, #tpu.memory_space<vmem>>) target(%dma_start3A_64 : memref<128x128xf32, #tpu.memory_space<vmem_shared>>) target_semaphore(%run_scoped3A : memref<!tpu.dma_semaphore, #tpu.memory_space<semaphore_mem>>)
      %dma_wait3A = arith.constant 0 : i32
      %dma_wait3A_65 = tpu.memref_slice %arg6[%add3A_20, %dma_wait3A] : memref<10240x128xf32, #tpu.memory_space<vmem_shared>> -> memref<128x128xf32, #tpu.memory_space<vmem_shared>>
      %dma_wait3A_66 = arith.constant 0 : i32
      %dma_wait3A_67 = tpu.memref_slice %arg6[%add3A_20, %dma_wait3A_66] : memref<10240x128xf32, #tpu.memory_space<vmem_shared>> -> memref<128x128xf32, #tpu.memory_space<vmem_shared>>
      tpu.wait_dma2 semaphore(%run_scoped3A : memref<!tpu.dma_semaphore, #tpu.memory_space<semaphore_mem>>) src(%arg9 : memref<128x128xf32, #tpu.memory_space<vmem>>) dst(%dma_wait3A_67 : memref<128x128xf32, #tpu.memory_space<vmem_shared>>)
      tpu.yield
    }) : () -> ()
    %barrier3A = arith.constant 0 : index
    tpu.barrier barrier_id(%barrier3A)
    %add3A_21 = arith.constant 0 : i32
    %add3A_22 = arith.addi %add3A, %add3A_21 : i32
    "tpu.region"() ({
      %run_scoped3A = tpu.sem_alloc : memref<!tpu.dma_semaphore, #tpu.memory_space<semaphore_mem>>
      %dma_start3A_61 = arith.constant 0 : i32
      %dma_start3A_62 = tpu.memref_slice %arg3[%add3A_22, %dma_start3A_61] : memref<2560x128xi32, #tpu.memory_space<hbm>> -> memref<40x128xi32, #tpu.memory_space<hbm>>
      %dma_start3A_63 = arith.constant 0 : i32
      %dma_start3A_64 = tpu.memref_slice %arg3[%add3A_22, %dma_start3A_63] : memref<2560x128xi32, #tpu.memory_space<hbm>> -> memref<40x128xi32, #tpu.memory_space<hbm>>
      tpu.enqueue_dma source(%dma_start3A_64 : memref<40x128xi32, #tpu.memory_space<hbm>>) target(%arg7 : memref<40x128xi32, #tpu.memory_space<vmem>>) target_semaphore(%run_scoped3A : memref<!tpu.dma_semaphore, #tpu.memory_space<semaphore_mem>>)
      %dma_wait3A = arith.constant 0 : i32
      %dma_wait3A_65 = tpu.memref_slice %arg3[%add3A_22, %dma_wait3A] : memref<2560x128xi32, #tpu.memory_space<hbm>> -> memref<40x128xi32, #tpu.memory_space<hbm>>
      %dma_wait3A_66 = arith.constant 0 : i32
      %dma_wait3A_67 = tpu.memref_slice %arg3[%add3A_22, %dma_wait3A_66] : memref<2560x128xi32, #tpu.memory_space<hbm>> -> memref<40x128xi32, #tpu.memory_space<hbm>>
      tpu.wait_dma2 semaphore(%run_scoped3A : memref<!tpu.dma_semaphore, #tpu.memory_space<semaphore_mem>>) src(%dma_wait3A_67 : memref<40x128xi32, #tpu.memory_space<hbm>>) dst(%arg7 : memref<40x128xi32, #tpu.memory_space<vmem>>)
      tpu.yield
    }) : () -> ()
    %add3A_23 = arith.constant 0 : i32
    %add3A_24 = arith.addi %add3A, %add3A_23 : i32
    "tpu.region"() ({
      %run_scoped3A = tpu.sem_alloc : memref<!tpu.dma_semaphore, #tpu.memory_space<semaphore_mem>>
      %dma_start3A_61 = arith.constant 0 : i32
      %dma_start3A_62 = tpu.memref_slice %arg4[%add3A_24, %dma_start3A_61] : memref<2560x128xi32, #tpu.memory_space<hbm>> -> memref<40x128xi32, #tpu.memory_space<hbm>>
      %dma_start3A_63 = arith.constant 0 : i32
      %dma_start3A_64 = tpu.memref_slice %arg4[%add3A_24, %dma_start3A_63] : memref<2560x128xi32, #tpu.memory_space<hbm>> -> memref<40x128xi32, #tpu.memory_space<hbm>>
      tpu.enqueue_dma source(%dma_start3A_64 : memref<40x128xi32, #tpu.memory_space<hbm>>) target(%arg8 : memref<40x128xi32, #tpu.memory_space<vmem>>) target_semaphore(%run_scoped3A : memref<!tpu.dma_semaphore, #tpu.memory_space<semaphore_mem>>)
      %dma_wait3A = arith.constant 0 : i32
      %dma_wait3A_65 = tpu.memref_slice %arg4[%add3A_24, %dma_wait3A] : memref<2560x128xi32, #tpu.memory_space<hbm>> -> memref<40x128xi32, #tpu.memory_space<hbm>>
      %dma_wait3A_66 = arith.constant 0 : i32
      %dma_wait3A_67 = tpu.memref_slice %arg4[%add3A_24, %dma_wait3A_66] : memref<2560x128xi32, #tpu.memory_space<hbm>> -> memref<40x128xi32, #tpu.memory_space<hbm>>
      tpu.wait_dma2 semaphore(%run_scoped3A : memref<!tpu.dma_semaphore, #tpu.memory_space<semaphore_mem>>) src(%dma_wait3A_67 : memref<40x128xi32, #tpu.memory_space<hbm>>) dst(%arg8 : memref<40x128xi32, #tpu.memory_space<vmem>>)
      tpu.yield
    }) : () -> ()
    %dma_start3A = arith.constant 0 : i32
    %dma_start3A_25 = arith.constant 0 : i32
    %dma_start3A_26 = tpu.memref_slice %arg7[%dma_start3A, %dma_start3A_25] : memref<40x128xi32, #tpu.memory_space<vmem>> -> memref<1x128xi32, #tpu.memory_space<vmem>>
    %dma_start3A_27 = tpu.memref_squeeze %dma_start3A_26 : memref<1x128xi32, #tpu.memory_space<vmem>> -> memref<128xi32, #tpu.memory_space<vmem>>
    %dma_start3A_28 = arith.constant 0 : i32
    %dma_start3A_29 = arith.constant 0 : i32
    %dma_start3A_30 = tpu.memref_slice %arg2[%dma_start3A_28, %dma_start3A_29] : memref<10000x128xf32, #tpu.memory_space<hbm>> -> memref<10000x128xf32, #tpu.memory_space<hbm>>
    tpu.enqueue_indirect_dma source(%dma_start3A_30 : memref<10000x128xf32, #tpu.memory_space<hbm>>) target(%arg9 : memref<128x128xf32, #tpu.memory_space<vmem>>) offsets(%dma_start3A_27 : memref<128xi32, #tpu.memory_space<vmem>>) semaphore(%arg11 : memref<!tpu.dma_semaphore, #tpu.memory_space<semaphore_mem>>)
    %scan3A_31 = arith.constant 0 : i32
    %scan3A_32 = arith.constant 0 : i32
    %scan3A_33 = arith.constant 20 : i32
    %scan3A_34 = arith.addi %scan3A_32, %scan3A_33 : i32
    %scan3A_35 = arith.constant 1 : i32
    scf.for %scan3A_61 = %scan3A_32 to %scan3A_34 step %scan3A_35  : i32 {
      %mul3A_62 = arith.constant 2 : i32
      %mul3A_63 = arith.muli %scan3A_61, %mul3A_62 : i32
      %add3A_64 = arith.constant 1 : i32
      %add3A_65 = arith.addi %mul3A_63, %add3A_64 : i32
      %dma_start3A_66 = arith.constant 0 : i32
      %dma_start3A_67 = tpu.memref_slice %arg7[%add3A_65, %dma_start3A_66] : memref<40x128xi32, #tpu.memory_space<vmem>> -> memref<1x128xi32, #tpu.memory_space<vmem>>
      %dma_start3A_68 = tpu.memref_squeeze %dma_start3A_67 : memref<1x128xi32, #tpu.memory_space<vmem>> -> memref<128xi32, #tpu.memory_space<vmem>>
      %dma_start3A_69 = arith.constant 0 : i32
      %dma_start3A_70 = arith.constant 0 : i32
      %dma_start3A_71 = tpu.memref_slice %arg2[%dma_start3A_69, %dma_start3A_70] : memref<10000x128xf32, #tpu.memory_space<hbm>> -> memref<10000x128xf32, #tpu.memory_space<hbm>>
      tpu.enqueue_indirect_dma source(%dma_start3A_71 : memref<10000x128xf32, #tpu.memory_space<hbm>>) target(%arg10 : memref<128x128xf32, #tpu.memory_space<vmem>>) offsets(%dma_start3A_68 : memref<128xi32, #tpu.memory_space<vmem>>) semaphore(%arg12 : memref<!tpu.dma_semaphore, #tpu.memory_space<semaphore_mem>>)
      %dma_wait3A = arith.constant 0 : i32
      %dma_wait3A_72 = arith.constant 0 : i32
      %dma_wait3A_73 = tpu.memref_slice %arg2[%dma_wait3A, %dma_wait3A_72] : memref<10000x128xf32, #tpu.memory_space<hbm>> -> memref<128x128xf32, #tpu.memory_space<hbm>>
      %dma_wait3A_74 = arith.constant 0 : i32
      %dma_wait3A_75 = arith.constant 0 : i32
      %dma_wait3A_76 = tpu.memref_slice %arg2[%dma_wait3A_74, %dma_wait3A_75] : memref<10000x128xf32, #tpu.memory_space<hbm>> -> memref<128x128xf32, #tpu.memory_space<hbm>>
      tpu.wait_dma2 semaphore(%arg11 : memref<!tpu.dma_semaphore, #tpu.memory_space<semaphore_mem>>) src(%dma_wait3A_76 : memref<128x128xf32, #tpu.memory_space<hbm>>) dst(%arg9 : memref<128x128xf32, #tpu.memory_space<vmem>>)
      "tpu.region"() ({
        %run_scoped3A = tpu.sem_alloc : memref<!tpu.dma_semaphore, #tpu.memory_space<semaphore_mem>>
        %dma_start3A_92 = arith.constant 0 : i32
        %dma_start3A_93 = tpu.memref_slice %arg8[%mul3A_63, %dma_start3A_92] : memref<40x128xi32, #tpu.memory_space<vmem>> -> memref<1x128xi32, #tpu.memory_space<vmem>>
        %dma_start3A_94 = tpu.memref_squeeze %dma_start3A_93 : memref<1x128xi32, #tpu.memory_space<vmem>> -> memref<128xi32, #tpu.memory_space<vmem>>
        %dma_start3A_95 = arith.constant 0 : i32
        %dma_start3A_96 = arith.constant 0 : i32
        %dma_start3A_97 = tpu.memref_slice %arg6[%dma_start3A_95, %dma_start3A_96] : memref<10240x128xf32, #tpu.memory_space<vmem_shared>> -> memref<10240x128xf32, #tpu.memory_space<vmem_shared>>
        tpu.enqueue_indirect_dma source(%arg9 : memref<128x128xf32, #tpu.memory_space<vmem>>) target(%dma_start3A_97 : memref<10240x128xf32, #tpu.memory_space<vmem_shared>>) offsets(%dma_start3A_94 : memref<128xi32, #tpu.memory_space<vmem>>) semaphore(%run_scoped3A : memref<!tpu.dma_semaphore, #tpu.memory_space<semaphore_mem>>) {add = true}
        %dma_wait3A_98 = arith.constant 0 : i32
        %dma_wait3A_99 = tpu.memref_slice %arg8[%mul3A_63, %dma_wait3A_98] : memref<40x128xi32, #tpu.memory_space<vmem>> -> memref<1x128xi32, #tpu.memory_space<vmem>>
        %dma_wait3A_100 = tpu.memref_squeeze %dma_wait3A_99 : memref<1x128xi32, #tpu.memory_space<vmem>> -> memref<128xi32, #tpu.memory_space<vmem>>
        %dma_wait3A_101 = arith.constant 0 : i32
        %dma_wait3A_102 = arith.constant 0 : i32
        %dma_wait3A_103 = tpu.memref_slice %arg6[%dma_wait3A_101, %dma_wait3A_102] : memref<10240x128xf32, #tpu.memory_space<vmem_shared>> -> memref<10240x128xf32, #tpu.memory_space<vmem_shared>>
        tpu.wait_indirect_dma semaphore(%run_scoped3A : memref<!tpu.dma_semaphore, #tpu.memory_space<semaphore_mem>>) src(%arg9 : memref<128x128xf32, #tpu.memory_space<vmem>>) dst(%dma_wait3A_103 : memref<10240x128xf32, #tpu.memory_space<vmem_shared>>)
        tpu.yield
      }) : () -> ()
      %add3A_77 = arith.constant 2 : i32
      %add3A_78 = arith.addi %mul3A_63, %add3A_77 : i32
      %lt3A_79 = arith.constant 40 : i32
      %lt3A_80 = arith.cmpi slt, %add3A_78, %lt3A_79 : i32
      %convert_element_type3A_81 = arith.extui %lt3A_80 : i1 to i32
      %cond3A_82 = arith.constant 0 : i32
      %cond3A_83 = arith.cmpi ne, %convert_element_type3A_81, %cond3A_82 : i32
      scf.if %cond3A_83 {
        %add3A_92 = arith.constant 2 : i32
        %add3A_93 = arith.addi %mul3A_63, %add3A_92 : i32
        %dma_start3A_94 = arith.constant 0 : i32
        %dma_start3A_95 = tpu.memref_slice %arg7[%add3A_93, %dma_start3A_94] : memref<40x128xi32, #tpu.memory_space<vmem>> -> memref<1x128xi32, #tpu.memory_space<vmem>>
        %dma_start3A_96 = tpu.memref_squeeze %dma_start3A_95 : memref<1x128xi32, #tpu.memory_space<vmem>> -> memref<128xi32, #tpu.memory_space<vmem>>
        %dma_start3A_97 = arith.constant 0 : i32
        %dma_start3A_98 = arith.constant 0 : i32
        %dma_start3A_99 = tpu.memref_slice %arg2[%dma_start3A_97, %dma_start3A_98] : memref<10000x128xf32, #tpu.memory_space<hbm>> -> memref<10000x128xf32, #tpu.memory_space<hbm>>
        tpu.enqueue_indirect_dma source(%dma_start3A_99 : memref<10000x128xf32, #tpu.memory_space<hbm>>) target(%arg9 : memref<128x128xf32, #tpu.memory_space<vmem>>) offsets(%dma_start3A_96 : memref<128xi32, #tpu.memory_space<vmem>>) semaphore(%arg11 : memref<!tpu.dma_semaphore, #tpu.memory_space<semaphore_mem>>)
      } else {
      }
      %dma_wait3A_84 = arith.constant 0 : i32
      %dma_wait3A_85 = tpu.memref_slice %arg7[%add3A_65, %dma_wait3A_84] : memref<40x128xi32, #tpu.memory_space<vmem>> -> memref<1x128xi32, #tpu.memory_space<vmem>>
      %dma_wait3A_86 = tpu.memref_squeeze %dma_wait3A_85 : memref<1x128xi32, #tpu.memory_space<vmem>> -> memref<128xi32, #tpu.memory_space<vmem>>
      %dma_wait3A_87 = arith.constant 0 : i32
      %dma_wait3A_88 = arith.constant 0 : i32
      %dma_wait3A_89 = tpu.memref_slice %arg2[%dma_wait3A_87, %dma_wait3A_88] : memref<10000x128xf32, #tpu.memory_space<hbm>> -> memref<10000x128xf32, #tpu.memory_space<hbm>>
      tpu.wait_indirect_dma semaphore(%arg12 : memref<!tpu.dma_semaphore, #tpu.memory_space<semaphore_mem>>) src(%dma_wait3A_89 : memref<10000x128xf32, #tpu.memory_space<hbm>>) dst(%arg10 : memref<128x128xf32, #tpu.memory_space<vmem>>)
      %add3A_90 = arith.constant 1 : i32
      %add3A_91 = arith.addi %mul3A_63, %add3A_90 : i32
      "tpu.region"() ({
        %run_scoped3A = tpu.sem_alloc : memref<!tpu.dma_semaphore, #tpu.memory_space<semaphore_mem>>
        %dma_start3A_92 = arith.constant 0 : i32
        %dma_start3A_93 = tpu.memref_slice %arg8[%add3A_91, %dma_start3A_92] : memref<40x128xi32, #tpu.memory_space<vmem>> -> memref<1x128xi32, #tpu.memory_space<vmem>>
        %dma_start3A_94 = tpu.memref_squeeze %dma_start3A_93 : memref<1x128xi32, #tpu.memory_space<vmem>> -> memref<128xi32, #tpu.memory_space<vmem>>
        %dma_start3A_95 = arith.constant 0 : i32
        %dma_start3A_96 = arith.constant 0 : i32
        %dma_start3A_97 = tpu.memref_slice %arg6[%dma_start3A_95, %dma_start3A_96] : memref<10240x128xf32, #tpu.memory_space<vmem_shared>> -> memref<10240x128xf32, #tpu.memory_space<vmem_shared>>
        tpu.enqueue_indirect_dma source(%arg10 : memref<128x128xf32, #tpu.memory_space<vmem>>) target(%dma_start3A_97 : memref<10240x128xf32, #tpu.memory_space<vmem_shared>>) offsets(%dma_start3A_94 : memref<128xi32, #tpu.memory_space<vmem>>) semaphore(%run_scoped3A : memref<!tpu.dma_semaphore, #tpu.memory_space<semaphore_mem>>) {add = true}
        %dma_wait3A_98 = arith.constant 0 : i32
        %dma_wait3A_99 = tpu.memref_slice %arg8[%add3A_91, %dma_wait3A_98] : memref<40x128xi32, #tpu.memory_space<vmem>> -> memref<1x128xi32, #tpu.memory_space<vmem>>
        %dma_wait3A_100 = tpu.memref_squeeze %dma_wait3A_99 : memref<1x128xi32, #tpu.memory_space<vmem>> -> memref<128xi32, #tpu.memory_space<vmem>>
        %dma_wait3A_101 = arith.constant 0 : i32
        %dma_wait3A_102 = arith.constant 0 : i32
        %dma_wait3A_103 = tpu.memref_slice %arg6[%dma_wait3A_101, %dma_wait3A_102] : memref<10240x128xf32, #tpu.memory_space<vmem_shared>> -> memref<10240x128xf32, #tpu.memory_space<vmem_shared>>
        tpu.wait_indirect_dma semaphore(%run_scoped3A : memref<!tpu.dma_semaphore, #tpu.memory_space<semaphore_mem>>) src(%arg10 : memref<128x128xf32, #tpu.memory_space<vmem>>) dst(%dma_wait3A_103 : memref<10240x128xf32, #tpu.memory_space<vmem_shared>>)
        tpu.yield
      }) : () -> ()
    }
    %scan3A_36 = arith.constant 20 : i32
    %add3A_37 = arith.constant 40 : i32
    %add3A_38 = arith.addi %add3A, %add3A_37 : i32
    "tpu.region"() ({
      %run_scoped3A = tpu.sem_alloc : memref<!tpu.dma_semaphore, #tpu.memory_space<semaphore_mem>>
      %dma_start3A_61 = arith.constant 0 : i32
      %dma_start3A_62 = tpu.memref_slice %arg3[%add3A_38, %dma_start3A_61] : memref<2560x128xi32, #tpu.memory_space<hbm>> -> memref<40x128xi32, #tpu.memory_space<hbm>>
      %dma_start3A_63 = arith.constant 0 : i32
      %dma_start3A_64 = tpu.memref_slice %arg3[%add3A_38, %dma_start3A_63] : memref<2560x128xi32, #tpu.memory_space<hbm>> -> memref<40x128xi32, #tpu.memory_space<hbm>>
      tpu.enqueue_dma source(%dma_start3A_64 : memref<40x128xi32, #tpu.memory_space<hbm>>) target(%arg7 : memref<40x128xi32, #tpu.memory_space<vmem>>) target_semaphore(%run_scoped3A : memref<!tpu.dma_semaphore, #tpu.memory_space<semaphore_mem>>)
      %dma_wait3A = arith.constant 0 : i32
      %dma_wait3A_65 = tpu.memref_slice %arg3[%add3A_38, %dma_wait3A] : memref<2560x128xi32, #tpu.memory_space<hbm>> -> memref<40x128xi32, #tpu.memory_space<hbm>>
      %dma_wait3A_66 = arith.constant 0 : i32
      %dma_wait3A_67 = tpu.memref_slice %arg3[%add3A_38, %dma_wait3A_66] : memref<2560x128xi32, #tpu.memory_space<hbm>> -> memref<40x128xi32, #tpu.memory_space<hbm>>
      tpu.wait_dma2 semaphore(%run_scoped3A : memref<!tpu.dma_semaphore, #tpu.memory_space<semaphore_mem>>) src(%dma_wait3A_67 : memref<40x128xi32, #tpu.memory_space<hbm>>) dst(%arg7 : memref<40x128xi32, #tpu.memory_space<vmem>>)
      tpu.yield
    }) : () -> ()
    %add3A_39 = arith.constant 40 : i32
    %add3A_40 = arith.addi %add3A, %add3A_39 : i32
    "tpu.region"() ({
      %run_scoped3A = tpu.sem_alloc : memref<!tpu.dma_semaphore, #tpu.memory_space<semaphore_mem>>
      %dma_start3A_61 = arith.constant 0 : i32
      %dma_start3A_62 = tpu.memref_slice %arg4[%add3A_40, %dma_start3A_61] : memref<2560x128xi32, #tpu.memory_space<hbm>> -> memref<40x128xi32, #tpu.memory_space<hbm>>
      %dma_start3A_63 = arith.constant 0 : i32
      %dma_start3A_64 = tpu.memref_slice %arg4[%add3A_40, %dma_start3A_63] : memref<2560x128xi32, #tpu.memory_space<hbm>> -> memref<40x128xi32, #tpu.memory_space<hbm>>
      tpu.enqueue_dma source(%dma_start3A_64 : memref<40x128xi32, #tpu.memory_space<hbm>>) target(%arg8 : memref<40x128xi32, #tpu.memory_space<vmem>>) target_semaphore(%run_scoped3A : memref<!tpu.dma_semaphore, #tpu.memory_space<semaphore_mem>>)
      %dma_wait3A = arith.constant 0 : i32
      %dma_wait3A_65 = tpu.memref_slice %arg4[%add3A_40, %dma_wait3A] : memref<2560x128xi32, #tpu.memory_space<hbm>> -> memref<40x128xi32, #tpu.memory_space<hbm>>
      %dma_wait3A_66 = arith.constant 0 : i32
      %dma_wait3A_67 = tpu.memref_slice %arg4[%add3A_40, %dma_wait3A_66] : memref<2560x128xi32, #tpu.memory_space<hbm>> -> memref<40x128xi32, #tpu.memory_space<hbm>>
      tpu.wait_dma2 semaphore(%run_scoped3A : memref<!tpu.dma_semaphore, #tpu.memory_space<semaphore_mem>>) src(%dma_wait3A_67 : memref<40x128xi32, #tpu.memory_space<hbm>>) dst(%arg8 : memref<40x128xi32, #tpu.memory_space<vmem>>)
      tpu.yield
    }) : () -> ()
    %dma_start3A_41 = arith.constant 0 : i32
    %dma_start3A_42 = arith.constant 0 : i32
    %dma_start3A_43 = tpu.memref_slice %arg7[%dma_start3A_41, %dma_start3A_42] : memref<40x128xi32, #tpu.memory_space<vmem>> -> memref<1x128xi32, #tpu.memory_space<vmem>>
    %dma_start3A_44 = tpu.memref_squeeze %dma_start3A_43 : memref<1x128xi32, #tpu.memory_space<vmem>> -> memref<128xi32, #tpu.memory_space<vmem>>
    %dma_start3A_45 = arith.constant 0 : i32
    %dma_start3A_46 = arith.constant 0 : i32
    %dma_start3A_47 = tpu.memref_slice %arg2[%dma_start3A_45, %dma_start3A_46] : memref<10000x128xf32, #tpu.memory_space<hbm>> -> memref<10000x128xf32, #tpu.memory_space<hbm>>
    tpu.enqueue_indirect_dma source(%dma_start3A_47 : memref<10000x128xf32, #tpu.memory_space<hbm>>) target(%arg9 : memref<128x128xf32, #tpu.memory_space<vmem>>) offsets(%dma_start3A_44 : memref<128xi32, #tpu.memory_space<vmem>>) semaphore(%arg11 : memref<!tpu.dma_semaphore, #tpu.memory_space<semaphore_mem>>)
    %scan3A_48 = arith.constant 0 : i32
    %scan3A_49 = arith.constant 0 : i32
    %scan3A_50 = arith.constant 20 : i32
    %scan3A_51 = arith.addi %scan3A_49, %scan3A_50 : i32
    %scan3A_52 = arith.constant 1 : i32
    scf.for %scan3A_61 = %scan3A_49 to %scan3A_51 step %scan3A_52  : i32 {
      %mul3A_62 = arith.constant 2 : i32
      %mul3A_63 = arith.muli %scan3A_61, %mul3A_62 : i32
      %add3A_64 = arith.constant 1 : i32
      %add3A_65 = arith.addi %mul3A_63, %add3A_64 : i32
      %dma_start3A_66 = arith.constant 0 : i32
      %dma_start3A_67 = tpu.memref_slice %arg7[%add3A_65, %dma_start3A_66] : memref<40x128xi32, #tpu.memory_space<vmem>> -> memref<1x128xi32, #tpu.memory_space<vmem>>
      %dma_start3A_68 = tpu.memref_squeeze %dma_start3A_67 : memref<1x128xi32, #tpu.memory_space<vmem>> -> memref<128xi32, #tpu.memory_space<vmem>>
      %dma_start3A_69 = arith.constant 0 : i32
      %dma_start3A_70 = arith.constant 0 : i32
      %dma_start3A_71 = tpu.memref_slice %arg2[%dma_start3A_69, %dma_start3A_70] : memref<10000x128xf32, #tpu.memory_space<hbm>> -> memref<10000x128xf32, #tpu.memory_space<hbm>>
      tpu.enqueue_indirect_dma source(%dma_start3A_71 : memref<10000x128xf32, #tpu.memory_space<hbm>>) target(%arg10 : memref<128x128xf32, #tpu.memory_space<vmem>>) offsets(%dma_start3A_68 : memref<128xi32, #tpu.memory_space<vmem>>) semaphore(%arg12 : memref<!tpu.dma_semaphore, #tpu.memory_space<semaphore_mem>>)
      %dma_wait3A = arith.constant 0 : i32
      %dma_wait3A_72 = arith.constant 0 : i32
      %dma_wait3A_73 = tpu.memref_slice %arg2[%dma_wait3A, %dma_wait3A_72] : memref<10000x128xf32, #tpu.memory_space<hbm>> -> memref<128x128xf32, #tpu.memory_space<hbm>>
      %dma_wait3A_74 = arith.constant 0 : i32
      %dma_wait3A_75 = arith.constant 0 : i32
      %dma_wait3A_76 = tpu.memref_slice %arg2[%dma_wait3A_74, %dma_wait3A_75] : memref<10000x128xf32, #tpu.memory_space<hbm>> -> memref<128x128xf32, #tpu.memory_space<hbm>>
      tpu.wait_dma2 semaphore(%arg11 : memref<!tpu.dma_semaphore, #tpu.memory_space<semaphore_mem>>) src(%dma_wait3A_76 : memref<128x128xf32, #tpu.memory_space<hbm>>) dst(%arg9 : memref<128x128xf32, #tpu.memory_space<vmem>>)
      "tpu.region"() ({
        %run_scoped3A = tpu.sem_alloc : memref<!tpu.dma_semaphore, #tpu.memory_space<semaphore_mem>>
        %dma_start3A_92 = arith.constant 0 : i32
        %dma_start3A_93 = tpu.memref_slice %arg8[%mul3A_63, %dma_start3A_92] : memref<40x128xi32, #tpu.memory_space<vmem>> -> memref<1x128xi32, #tpu.memory_space<vmem>>
        %dma_start3A_94 = tpu.memref_squeeze %dma_start3A_93 : memref<1x128xi32, #tpu.memory_space<vmem>> -> memref<128xi32, #tpu.memory_space<vmem>>
        %dma_start3A_95 = arith.constant 0 : i32
        %dma_start3A_96 = arith.constant 0 : i32
        %dma_start3A_97 = tpu.memref_slice %arg6[%dma_start3A_95, %dma_start3A_96] : memref<10240x128xf32, #tpu.memory_space<vmem_shared>> -> memref<10240x128xf32, #tpu.memory_space<vmem_shared>>
        tpu.enqueue_indirect_dma source(%arg9 : memref<128x128xf32, #tpu.memory_space<vmem>>) target(%dma_start3A_97 : memref<10240x128xf32, #tpu.memory_space<vmem_shared>>) offsets(%dma_start3A_94 : memref<128xi32, #tpu.memory_space<vmem>>) semaphore(%run_scoped3A : memref<!tpu.dma_semaphore, #tpu.memory_space<semaphore_mem>>) {add = true}
        %dma_wait3A_98 = arith.constant 0 : i32
        %dma_wait3A_99 = tpu.memref_slice %arg8[%mul3A_63, %dma_wait3A_98] : memref<40x128xi32, #tpu.memory_space<vmem>> -> memref<1x128xi32, #tpu.memory_space<vmem>>
        %dma_wait3A_100 = tpu.memref_squeeze %dma_wait3A_99 : memref<1x128xi32, #tpu.memory_space<vmem>> -> memref<128xi32, #tpu.memory_space<vmem>>
        %dma_wait3A_101 = arith.constant 0 : i32
        %dma_wait3A_102 = arith.constant 0 : i32
        %dma_wait3A_103 = tpu.memref_slice %arg6[%dma_wait3A_101, %dma_wait3A_102] : memref<10240x128xf32, #tpu.memory_space<vmem_shared>> -> memref<10240x128xf32, #tpu.memory_space<vmem_shared>>
        tpu.wait_indirect_dma semaphore(%run_scoped3A : memref<!tpu.dma_semaphore, #tpu.memory_space<semaphore_mem>>) src(%arg9 : memref<128x128xf32, #tpu.memory_space<vmem>>) dst(%dma_wait3A_103 : memref<10240x128xf32, #tpu.memory_space<vmem_shared>>)
        tpu.yield
      }) : () -> ()
      %add3A_77 = arith.constant 2 : i32
      %add3A_78 = arith.addi %mul3A_63, %add3A_77 : i32
      %lt3A_79 = arith.constant 40 : i32
      %lt3A_80 = arith.cmpi slt, %add3A_78, %lt3A_79 : i32
      %convert_element_type3A_81 = arith.extui %lt3A_80 : i1 to i32
      %cond3A_82 = arith.constant 0 : i32
      %cond3A_83 = arith.cmpi ne, %convert_element_type3A_81, %cond3A_82 : i32
      scf.if %cond3A_83 {
        %add3A_92 = arith.constant 2 : i32
        %add3A_93 = arith.addi %mul3A_63, %add3A_92 : i32
        %dma_start3A_94 = arith.constant 0 : i32
        %dma_start3A_95 = tpu.memref_slice %arg7[%add3A_93, %dma_start3A_94] : memref<40x128xi32, #tpu.memory_space<vmem>> -> memref<1x128xi32, #tpu.memory_space<vmem>>
        %dma_start3A_96 = tpu.memref_squeeze %dma_start3A_95 : memref<1x128xi32, #tpu.memory_space<vmem>> -> memref<128xi32, #tpu.memory_space<vmem>>
        %dma_start3A_97 = arith.constant 0 : i32
        %dma_start3A_98 = arith.constant 0 : i32
        %dma_start3A_99 = tpu.memref_slice %arg2[%dma_start3A_97, %dma_start3A_98] : memref<10000x128xf32, #tpu.memory_space<hbm>> -> memref<10000x128xf32, #tpu.memory_space<hbm>>
        tpu.enqueue_indirect_dma source(%dma_start3A_99 : memref<10000x128xf32, #tpu.memory_space<hbm>>) target(%arg9 : memref<128x128xf32, #tpu.memory_space<vmem>>) offsets(%dma_start3A_96 : memref<128xi32, #tpu.memory_space<vmem>>) semaphore(%arg11 : memref<!tpu.dma_semaphore, #tpu.memory_space<semaphore_mem>>)
      } else {
      }
      %dma_wait3A_84 = arith.constant 0 : i32
      %dma_wait3A_85 = tpu.memref_slice %arg7[%add3A_65, %dma_wait3A_84] : memref<40x128xi32, #tpu.memory_space<vmem>> -> memref<1x128xi32, #tpu.memory_space<vmem>>
      %dma_wait3A_86 = tpu.memref_squeeze %dma_wait3A_85 : memref<1x128xi32, #tpu.memory_space<vmem>> -> memref<128xi32, #tpu.memory_space<vmem>>
      %dma_wait3A_87 = arith.constant 0 : i32
      %dma_wait3A_88 = arith.constant 0 : i32
      %dma_wait3A_89 = tpu.memref_slice %arg2[%dma_wait3A_87, %dma_wait3A_88] : memref<10000x128xf32, #tpu.memory_space<hbm>> -> memref<10000x128xf32, #tpu.memory_space<hbm>>
      tpu.wait_indirect_dma semaphore(%arg12 : memref<!tpu.dma_semaphore, #tpu.memory_space<semaphore_mem>>) src(%dma_wait3A_89 : memref<10000x128xf32, #tpu.memory_space<hbm>>) dst(%arg10 : memref<128x128xf32, #tpu.memory_space<vmem>>)
      %add3A_90 = arith.constant 1 : i32
      %add3A_91 = arith.addi %mul3A_63, %add3A_90 : i32
      "tpu.region"() ({
        %run_scoped3A = tpu.sem_alloc : memref<!tpu.dma_semaphore, #tpu.memory_space<semaphore_mem>>
        %dma_start3A_92 = arith.constant 0 : i32
        %dma_start3A_93 = tpu.memref_slice %arg8[%add3A_91, %dma_start3A_92] : memref<40x128xi32, #tpu.memory_space<vmem>> -> memref<1x128xi32, #tpu.memory_space<vmem>>
        %dma_start3A_94 = tpu.memref_squeeze %dma_start3A_93 : memref<1x128xi32, #tpu.memory_space<vmem>> -> memref<128xi32, #tpu.memory_space<vmem>>
        %dma_start3A_95 = arith.constant 0 : i32
        %dma_start3A_96 = arith.constant 0 : i32
        %dma_start3A_97 = tpu.memref_slice %arg6[%dma_start3A_95, %dma_start3A_96] : memref<10240x128xf32, #tpu.memory_space<vmem_shared>> -> memref<10240x128xf32, #tpu.memory_space<vmem_shared>>
        tpu.enqueue_indirect_dma source(%arg10 : memref<128x128xf32, #tpu.memory_space<vmem>>) target(%dma_start3A_97 : memref<10240x128xf32, #tpu.memory_space<vmem_shared>>) offsets(%dma_start3A_94 : memref<128xi32, #tpu.memory_space<vmem>>) semaphore(%run_scoped3A : memref<!tpu.dma_semaphore, #tpu.memory_space<semaphore_mem>>) {add = true}
        %dma_wait3A_98 = arith.constant 0 : i32
        %dma_wait3A_99 = tpu.memref_slice %arg8[%add3A_91, %dma_wait3A_98] : memref<40x128xi32, #tpu.memory_space<vmem>> -> memref<1x128xi32, #tpu.memory_space<vmem>>
        %dma_wait3A_100 = tpu.memref_squeeze %dma_wait3A_99 : memref<1x128xi32, #tpu.memory_space<vmem>> -> memref<128xi32, #tpu.memory_space<vmem>>
        %dma_wait3A_101 = arith.constant 0 : i32
        %dma_wait3A_102 = arith.constant 0 : i32
        %dma_wait3A_103 = tpu.memref_slice %arg6[%dma_wait3A_101, %dma_wait3A_102] : memref<10240x128xf32, #tpu.memory_space<vmem_shared>> -> memref<10240x128xf32, #tpu.memory_space<vmem_shared>>
        tpu.wait_indirect_dma semaphore(%run_scoped3A : memref<!tpu.dma_semaphore, #tpu.memory_space<semaphore_mem>>) src(%arg10 : memref<128x128xf32, #tpu.memory_space<vmem>>) dst(%dma_wait3A_103 : memref<10240x128xf32, #tpu.memory_space<vmem_shared>>)
        tpu.yield
      }) : () -> ()
    }
    %scan3A_53 = arith.constant 20 : i32
    %barrier3A_54 = arith.constant 0 : index
    tpu.barrier barrier_id(%barrier3A_54)
    %lt3A = arith.constant 15 : i32
    %lt3A_55 = arith.cmpi slt, %arg1, %lt3A : i32
    %convert_element_type3A = arith.extui %lt3A_55 : i1 to i32
    %cond3A = arith.constant 0 : i32
    %cond3A_56 = arith.cmpi ne, %convert_element_type3A, %cond3A : i32
    scf.if %cond3A_56 {
      "tpu.region"() ({
        %run_scoped3A = tpu.sem_alloc : memref<!tpu.dma_semaphore, #tpu.memory_space<semaphore_mem>>
        %dma_start3A_61 = arith.constant 0 : i32
        %dma_start3A_62 = arith.constant 0 : i32
        %dma_start3A_63 = tpu.memref_slice %arg5[%arg0, %dma_start3A_61, %dma_start3A_62] : memref<2x10000x128xf32, #tpu.memory_space<hbm>> -> memref<1x10000x128xf32, #tpu.memory_space<hbm>>
        %dma_start3A_64 = tpu.memref_squeeze %dma_start3A_63 : memref<1x10000x128xf32, #tpu.memory_space<hbm>> -> memref<10000x128xf32, #tpu.memory_space<hbm>>
        %dma_start3A_65 = arith.constant 0 : i32
        %dma_start3A_66 = tpu.memref_slice %dma_start3A_64[%mul3A_0, %dma_start3A_65] : memref<10000x128xf32, #tpu.memory_space<hbm>> -> memref<640x128xf32, #tpu.memory_space<hbm>>
        %dma_start3A_67 = arith.constant 0 : i32
        %dma_start3A_68 = tpu.memref_slice %arg6[%mul3A_0, %dma_start3A_67] : memref<10240x128xf32, #tpu.memory_space<vmem_shared>> -> memref<640x128xf32, #tpu.memory_space<vmem_shared>>
        tpu.enqueue_dma source(%dma_start3A_68 : memref<640x128xf32, #tpu.memory_space<vmem_shared>>) target(%dma_start3A_66 : memref<640x128xf32, #tpu.memory_space<hbm>>) target_semaphore(%run_scoped3A : memref<!tpu.dma_semaphore, #tpu.memory_space<semaphore_mem>>)
        %dma_wait3A = arith.constant 0 : i32
        %dma_wait3A_69 = arith.constant 0 : i32
        %dma_wait3A_70 = tpu.memref_slice %arg5[%arg0, %dma_wait3A, %dma_wait3A_69] : memref<2x10000x128xf32, #tpu.memory_space<hbm>> -> memref<1x10000x128xf32, #tpu.memory_space<hbm>>
        %dma_wait3A_71 = tpu.memref_squeeze %dma_wait3A_70 : memref<1x10000x128xf32, #tpu.memory_space<hbm>> -> memref<10000x128xf32, #tpu.memory_space<hbm>>
        %dma_wait3A_72 = arith.constant 0 : i32
        %dma_wait3A_73 = tpu.memref_slice %dma_wait3A_71[%mul3A_0, %dma_wait3A_72] : memref<10000x128xf32, #tpu.memory_space<hbm>> -> memref<640x128xf32, #tpu.memory_space<hbm>>
        %dma_wait3A_74 = arith.constant 0 : i32
        %dma_wait3A_75 = tpu.memref_slice %arg6[%mul3A_0, %dma_wait3A_74] : memref<10240x128xf32, #tpu.memory_space<vmem_shared>> -> memref<640x128xf32, #tpu.memory_space<vmem_shared>>
        tpu.wait_dma2 semaphore(%run_scoped3A : memref<!tpu.dma_semaphore, #tpu.memory_space<semaphore_mem>>) src(%dma_wait3A_75 : memref<640x128xf32, #tpu.memory_space<vmem_shared>>) dst(%dma_wait3A_73 : memref<640x128xf32, #tpu.memory_space<hbm>>)
        tpu.yield
      }) : () -> ()
    } else {
    }
    %eq3A = arith.constant 15 : i32
    %eq3A_57 = arith.cmpi eq, %arg1, %eq3A : i32
    %convert_element_type3A_58 = arith.extui %eq3A_57 : i1 to i32
    %cond3A_59 = arith.constant 0 : i32
    %cond3A_60 = arith.cmpi ne, %convert_element_type3A_58, %cond3A_59 : i32
    scf.if %cond3A_60 {
      "tpu.region"() ({
        %run_scoped3A = tpu.sem_alloc : memref<!tpu.dma_semaphore, #tpu.memory_space<semaphore_mem>>
        %dma_start3A_61 = arith.constant 0 : i32
        %dma_start3A_62 = arith.constant 0 : i32
        %dma_start3A_63 = tpu.memref_slice %arg5[%arg0, %dma_start3A_61, %dma_start3A_62] : memref<2x10000x128xf32, #tpu.memory_space<hbm>> -> memref<1x10000x128xf32, #tpu.memory_space<hbm>>
        %dma_start3A_64 = tpu.memref_squeeze %dma_start3A_63 : memref<1x10000x128xf32, #tpu.memory_space<hbm>> -> memref<10000x128xf32, #tpu.memory_space<hbm>>
        %dma_start3A_65 = arith.constant 9600 : i32
        %dma_start3A_66 = arith.constant 0 : i32
        %dma_start3A_67 = tpu.memref_slice %dma_start3A_64[%dma_start3A_65, %dma_start3A_66] : memref<10000x128xf32, #tpu.memory_space<hbm>> -> memref<400x128xf32, #tpu.memory_space<hbm>>
        %dma_start3A_68 = arith.constant 9600 : i32
        %dma_start3A_69 = arith.constant 0 : i32
        %dma_start3A_70 = tpu.memref_slice %arg6[%dma_start3A_68, %dma_start3A_69] : memref<10240x128xf32, #tpu.memory_space<vmem_shared>> -> memref<400x128xf32, #tpu.memory_space<vmem_shared>>
        tpu.enqueue_dma source(%dma_start3A_70 : memref<400x128xf32, #tpu.memory_space<vmem_shared>>) target(%dma_start3A_67 : memref<400x128xf32, #tpu.memory_space<hbm>>) target_semaphore(%run_scoped3A : memref<!tpu.dma_semaphore, #tpu.memory_space<semaphore_mem>>)
        %dma_wait3A = arith.constant 0 : i32
        %dma_wait3A_71 = arith.constant 0 : i32
        %dma_wait3A_72 = tpu.memref_slice %arg5[%arg0, %dma_wait3A, %dma_wait3A_71] : memref<2x10000x128xf32, #tpu.memory_space<hbm>> -> memref<1x10000x128xf32, #tpu.memory_space<hbm>>
        %dma_wait3A_73 = tpu.memref_squeeze %dma_wait3A_72 : memref<1x10000x128xf32, #tpu.memory_space<hbm>> -> memref<10000x128xf32, #tpu.memory_space<hbm>>
        %dma_wait3A_74 = arith.constant 9600 : i32
        %dma_wait3A_75 = arith.constant 0 : i32
        %dma_wait3A_76 = tpu.memref_slice %dma_wait3A_73[%dma_wait3A_74, %dma_wait3A_75] : memref<10000x128xf32, #tpu.memory_space<hbm>> -> memref<400x128xf32, #tpu.memory_space<hbm>>
        %dma_wait3A_77 = arith.constant 9600 : i32
        %dma_wait3A_78 = arith.constant 0 : i32
        %dma_wait3A_79 = tpu.memref_slice %arg6[%dma_wait3A_77, %dma_wait3A_78] : memref<10240x128xf32, #tpu.memory_space<vmem_shared>> -> memref<400x128xf32, #tpu.memory_space<vmem_shared>>
        tpu.wait_dma2 semaphore(%run_scoped3A : memref<!tpu.dma_semaphore, #tpu.memory_space<semaphore_mem>>) src(%dma_wait3A_79 : memref<400x128xf32, #tpu.memory_space<vmem_shared>>) dst(%dma_wait3A_76 : memref<400x128xf32, #tpu.memory_space<hbm>>)
        tpu.yield
      }) : () -> ()
    } else {
    }
    return
  }
}

module attributes {stable_mosaic.version = 14 : i64} {
  func.func @_mlp_body(%arg0: i32, %arg1: memref<1000x128xf32, #tpu.memory_space<vmem>>, %arg2: memref<1000x128xf32, #tpu.memory_space<vmem>>, %arg3: memref<1000x128xf32, #tpu.memory_space<vmem>>, %arg4: memref<128x128xf32, #tpu.memory_space<vmem>>, %arg5: memref<1x128xf32, #tpu.memory_space<vmem>>, %arg6: memref<128x128xf32, #tpu.memory_space<vmem>>, %arg7: memref<1x128xf32, #tpu.memory_space<vmem>>, %arg8: memref<1000x128xf32, #tpu.memory_space<vmem>>) attributes {dimension_semantics = [#tpu.dimension_semantics<arbitrary>], iteration_bounds = array<i64: 10>, scalar_prefetch = 0 : i64, scratch_operands = 0 : i64, tpu.core_type = #tpu.core_type<tc>, window_params = [{transform_indices = @transform_0, window_bounds = array<i64: 1000, 128>}, {transform_indices = @transform_1, window_bounds = array<i64: 1000, 128>}, {transform_indices = @transform_2, window_bounds = array<i64: 1000, 128>}, {pipeline_mode = #tpu.pipeline_mode<synchronous>, transform_indices = @transform_3, window_bounds = array<i64: 128, 128>}, {pipeline_mode = #tpu.pipeline_mode<synchronous>, transform_indices = @transform_4, window_bounds = array<i64: 1, 128>}, {pipeline_mode = #tpu.pipeline_mode<synchronous>, transform_indices = @transform_5, window_bounds = array<i64: 128, 128>}, {pipeline_mode = #tpu.pipeline_mode<synchronous>, transform_indices = @transform_6, window_bounds = array<i64: 1, 128>}, {transform_indices = @transform_7, window_bounds = array<i64: 1000, 128>}]} {
    %get3A = arith.constant 0 : index
    %get3A_0 = arith.constant 0 : index
    %get3A_1 = vector.load %arg1[%get3A, %get3A_0] : memref<1000x128xf32, #tpu.memory_space<vmem>>, vector<1000x128xf32>
    %get3A_2 = arith.constant 0 : index
    %get3A_3 = arith.constant 0 : index
    %get3A_4 = vector.load %arg2[%get3A_2, %get3A_3] : memref<1000x128xf32, #tpu.memory_space<vmem>>, vector<1000x128xf32>
    %add3A = arith.addf %get3A_1, %get3A_4 : vector<1000x128xf32>
    %get3A_5 = arith.constant 0 : index
    %get3A_6 = arith.constant 0 : index
    %get3A_7 = vector.load %arg3[%get3A_5, %get3A_6] : memref<1000x128xf32, #tpu.memory_space<vmem>>, vector<1000x128xf32>
    %add3A_8 = arith.addf %add3A, %get3A_7 : vector<1000x128xf32>
    %get3A_9 = arith.constant 0 : index
    %get3A_10 = arith.constant 0 : index
    %get3A_11 = vector.load %arg4[%get3A_9, %get3A_10] : memref<128x128xf32, #tpu.memory_space<vmem>>, vector<128x128xf32>
    %dot_general3A = arith.constant dense<0.000000e+00> : vector<1000x128xf32>
    %dot_general3A_12 = tpu.matmul %add3A_8, %get3A_11, %dot_general3A {dimension_numbers = #tpu.dot_dimension_numbers<[1], [0], [0], [1], [0, 0, 1, 1], [], []>, transpose_lhs_hint = false} : vector<1000x128xf32>, vector<128x128xf32>, vector<1000x128xf32> -> vector<1000x128xf32>
    %get3A_13 = arith.constant 0 : index
    %get3A_14 = arith.constant 0 : index
    %get3A_15 = vector.load %arg5[%get3A_13, %get3A_14] : memref<1x128xf32, #tpu.memory_space<vmem>>, vector<1x128xf32>
    %add3A_16 = vector.broadcast %get3A_15 : vector<1x128xf32> to vector<1000x128xf32>
    %add3A_17 = arith.addf %dot_general3A_12, %add3A_16 : vector<1000x128xf32>
    %max3A = arith.constant 0.000000e+00 : f32
    %max3A_18 = vector.broadcast %max3A : f32 to vector<1000x128xf32>
    %max3A_19 = arith.maximumf %add3A_17, %max3A_18 : vector<1000x128xf32>
    %get3A_20 = arith.constant 0 : index
    %get3A_21 = arith.constant 0 : index
    %get3A_22 = vector.load %arg6[%get3A_20, %get3A_21] : memref<128x128xf32, #tpu.memory_space<vmem>>, vector<128x128xf32>
    %dot_general3A_23 = arith.constant dense<0.000000e+00> : vector<1000x128xf32>
    %dot_general3A_24 = tpu.matmul %max3A_19, %get3A_22, %dot_general3A_23 {dimension_numbers = #tpu.dot_dimension_numbers<[1], [0], [0], [1], [0, 0, 1, 1], [], []>, transpose_lhs_hint = false} : vector<1000x128xf32>, vector<128x128xf32>, vector<1000x128xf32> -> vector<1000x128xf32>
    %get3A_25 = arith.constant 0 : index
    %get3A_26 = arith.constant 0 : index
    %get3A_27 = vector.load %arg7[%get3A_25, %get3A_26] : memref<1x128xf32, #tpu.memory_space<vmem>>, vector<1x128xf32>
    %add3A_28 = vector.broadcast %get3A_27 : vector<1x128xf32> to vector<1000x128xf32>
    %add3A_29 = arith.addf %dot_general3A_24, %add3A_28 : vector<1000x128xf32>
    %max3A_30 = arith.constant 0.000000e+00 : f32
    %max3A_31 = vector.broadcast %max3A_30 : f32 to vector<1000x128xf32>
    %max3A_32 = arith.maximumf %add3A_29, %max3A_31 : vector<1000x128xf32>
    %swap3A = arith.constant 0 : index
    %swap3A_33 = arith.constant 0 : index
    %swap3A_34 = vector.load %arg8[%swap3A, %swap3A_33] : memref<1000x128xf32, #tpu.memory_space<vmem>>, vector<1000x128xf32>
    tpu.vector_store %arg8[%swap3A, %swap3A_33], %max3A_32 {strides = array<i32>} : memref<1000x128xf32, #tpu.memory_space<vmem>>, vector<1000x128xf32>,
    return
  }
  func.func @transform_0(%arg0: i32) -> (i32, i32) {
    %c0_i32 = arith.constant 0 : i32
    %c0_i32_0 = arith.constant 0 : i32
    return %arg0, %c0_i32 : i32, i32
  }
  func.func @transform_1(%arg0: i32) -> (i32, i32) {
    %c0_i32 = arith.constant 0 : i32
    %c0_i32_0 = arith.constant 0 : i32
    return %arg0, %c0_i32 : i32, i32
  }
  func.func @transform_2(%arg0: i32) -> (i32, i32) {
    %c0_i32 = arith.constant 0 : i32
    %c0_i32_0 = arith.constant 0 : i32
    return %arg0, %c0_i32 : i32, i32
  }
  func.func @transform_3(%arg0: i32) -> (i32, i32) {
    %c0_i32 = arith.constant 0 : i32
    %c0_i32_0 = arith.constant 0 : i32
    %c0_i32_1 = arith.constant 0 : i32
    return %c0_i32, %c0_i32_0 : i32, i32
  }
  func.func @transform_4(%arg0: i32) -> (i32, i32) {
    %c0_i32 = arith.constant 0 : i32
    %c0_i32_0 = arith.constant 0 : i32
    %c0_i32_1 = arith.constant 0 : i32
    return %c0_i32, %c0_i32_0 : i32, i32
  }
  func.func @transform_5(%arg0: i32) -> (i32, i32) {
    %c0_i32 = arith.constant 0 : i32
    %c0_i32_0 = arith.constant 0 : i32
    %c0_i32_1 = arith.constant 0 : i32
    return %c0_i32, %c0_i32_0 : i32, i32
  }
  func.func @transform_6(%arg0: i32) -> (i32, i32) {
    %c0_i32 = arith.constant 0 : i32
    %c0_i32_0 = arith.constant 0 : i32
    %c0_i32_1 = arith.constant 0 : i32
    return %c0_i32, %c0_i32_0 : i32, i32
  }
  func.func @transform_7(%arg0: i32) -> (i32, i32) {
    %c0_i32 = arith.constant 0 : i32
    %c0_i32_0 = arith.constant 0 : i32
    return %arg0, %c0_i32 : i32, i32
  }
}

module attributes {stable_mosaic.version = 14 : i64} {
  func.func @_mlp_pool_head_body(%arg0: i32, %arg1: memref<1000x128xf32, #tpu.memory_space<vmem>>, %arg2: memref<1000x128xf32, #tpu.memory_space<vmem>>, %arg3: memref<1000x128xf32, #tpu.memory_space<vmem>>, %arg4: memref<128x128xf32, #tpu.memory_space<vmem>>, %arg5: memref<1x128xf32, #tpu.memory_space<vmem>>, %arg6: memref<128x128xf32, #tpu.memory_space<vmem>>, %arg7: memref<1x128xf32, #tpu.memory_space<vmem>>, %arg8: memref<1x1x1000xi32, #tpu.memory_space<vmem>>, %arg9: memref<128x128xf32, #tpu.memory_space<vmem>>, %arg10: memref<1x128xf32, #tpu.memory_space<vmem>>, %arg11: memref<128x128xf32, #tpu.memory_space<vmem>>, %arg12: memref<1x128xf32, #tpu.memory_space<vmem>>, %arg13: memref<64x128xf32, #tpu.memory_space<vmem>>, %arg14: memref<64x128xf32, #tpu.memory_space<vmem>>) attributes {dimension_semantics = [#tpu.dimension_semantics<arbitrary>], iteration_bounds = array<i64: 10>, scalar_prefetch = 0 : i64, scratch_operands = 0 : i64, tpu.core_type = #tpu.core_type<tc>, window_params = [{transform_indices = @transform_0, window_bounds = array<i64: 1000, 128>}, {transform_indices = @transform_1, window_bounds = array<i64: 1000, 128>}, {transform_indices = @transform_2, window_bounds = array<i64: 1000, 128>}, {pipeline_mode = #tpu.pipeline_mode<synchronous>, transform_indices = @transform_3, window_bounds = array<i64: 128, 128>}, {pipeline_mode = #tpu.pipeline_mode<synchronous>, transform_indices = @transform_4, window_bounds = array<i64: 1, 128>}, {pipeline_mode = #tpu.pipeline_mode<synchronous>, transform_indices = @transform_5, window_bounds = array<i64: 128, 128>}, {pipeline_mode = #tpu.pipeline_mode<synchronous>, transform_indices = @transform_6, window_bounds = array<i64: 1, 128>}, {transform_indices = @transform_7, window_bounds = array<i64: 1, 1, 1000>}, {pipeline_mode = #tpu.pipeline_mode<synchronous>, transform_indices = @transform_8, window_bounds = array<i64: 128, 128>}, {pipeline_mode = #tpu.pipeline_mode<synchronous>, transform_indices = @transform_9, window_bounds = array<i64: 1, 128>}, {pipeline_mode = #tpu.pipeline_mode<synchronous>, transform_indices = @transform_10, window_bounds = array<i64: 128, 128>}, {pipeline_mode = #tpu.pipeline_mode<synchronous>, transform_indices = @transform_11, window_bounds = array<i64: 1, 128>}, {pipeline_mode = #tpu.pipeline_mode<synchronous>, transform_indices = @transform_12, window_bounds = array<i64: 64, 128>}, {pipeline_mode = #tpu.pipeline_mode<synchronous>, transform_indices = @transform_13, window_bounds = array<i64: 64, 128>}]} {
    %get3A = arith.constant 0 : index
    %get3A_0 = arith.constant 0 : index
    %get3A_1 = vector.load %arg1[%get3A, %get3A_0] : memref<1000x128xf32, #tpu.memory_space<vmem>>, vector<1000x128xf32>
    %get3A_2 = arith.constant 0 : index
    %get3A_3 = arith.constant 0 : index
    %get3A_4 = vector.load %arg2[%get3A_2, %get3A_3] : memref<1000x128xf32, #tpu.memory_space<vmem>>, vector<1000x128xf32>
    %add3A = arith.addf %get3A_1, %get3A_4 : vector<1000x128xf32>
    %get3A_5 = arith.constant 0 : index
    %get3A_6 = arith.constant 0 : index
    %get3A_7 = vector.load %arg3[%get3A_5, %get3A_6] : memref<1000x128xf32, #tpu.memory_space<vmem>>, vector<1000x128xf32>
    %add3A_8 = arith.addf %add3A, %get3A_7 : vector<1000x128xf32>
    %get3A_9 = arith.constant 0 : index
    %get3A_10 = arith.constant 0 : index
    %get3A_11 = vector.load %arg4[%get3A_9, %get3A_10] : memref<128x128xf32, #tpu.memory_space<vmem>>, vector<128x128xf32>
    %dot_general3A = arith.constant dense<0.000000e+00> : vector<1000x128xf32>
    %dot_general3A_12 = tpu.matmul %add3A_8, %get3A_11, %dot_general3A {dimension_numbers = #tpu.dot_dimension_numbers<[1], [0], [0], [1], [0, 0, 1, 1], [], []>, transpose_lhs_hint = false} : vector<1000x128xf32>, vector<128x128xf32>, vector<1000x128xf32> -> vector<1000x128xf32>
    %get3A_13 = arith.constant 0 : index
    %get3A_14 = arith.constant 0 : index
    %get3A_15 = vector.load %arg5[%get3A_13, %get3A_14] : memref<1x128xf32, #tpu.memory_space<vmem>>, vector<1x128xf32>
    %add3A_16 = vector.broadcast %get3A_15 : vector<1x128xf32> to vector<1000x128xf32>
    %add3A_17 = arith.addf %dot_general3A_12, %add3A_16 : vector<1000x128xf32>
    %max3A = arith.constant 0.000000e+00 : f32
    %max3A_18 = vector.broadcast %max3A : f32 to vector<1000x128xf32>
    %max3A_19 = arith.maximumf %add3A_17, %max3A_18 : vector<1000x128xf32>
    %get3A_20 = arith.constant 0 : index
    %get3A_21 = arith.constant 0 : index
    %get3A_22 = vector.load %arg6[%get3A_20, %get3A_21] : memref<128x128xf32, #tpu.memory_space<vmem>>, vector<128x128xf32>
    %dot_general3A_23 = arith.constant dense<0.000000e+00> : vector<1000x128xf32>
    %dot_general3A_24 = tpu.matmul %max3A_19, %get3A_22, %dot_general3A_23 {dimension_numbers = #tpu.dot_dimension_numbers<[1], [0], [0], [1], [0, 0, 1, 1], [], []>, transpose_lhs_hint = false} : vector<1000x128xf32>, vector<128x128xf32>, vector<1000x128xf32> -> vector<1000x128xf32>
    %get3A_25 = arith.constant 0 : index
    %get3A_26 = arith.constant 0 : index
    %get3A_27 = vector.load %arg7[%get3A_25, %get3A_26] : memref<1x128xf32, #tpu.memory_space<vmem>>, vector<1x128xf32>
    %add3A_28 = vector.broadcast %get3A_27 : vector<1x128xf32> to vector<1000x128xf32>
    %add3A_29 = arith.addf %dot_general3A_24, %add3A_28 : vector<1000x128xf32>
    %max3A_30 = arith.constant 0.000000e+00 : f32
    %max3A_31 = vector.broadcast %max3A_30 : f32 to vector<1000x128xf32>
    %max3A_32 = arith.maximumf %add3A_29, %max3A_31 : vector<1000x128xf32>
    %get3A_33 = arith.constant 0 : index
    %get3A_34 = arith.constant 0 : index
    %get3A_35 = arith.constant 0 : index
    %get3A_36 = vector.load %arg8[%get3A_33, %get3A_34, %get3A_35] : memref<1x1x1000xi32, #tpu.memory_space<vmem>>, vector<1x1x1000xi32>
    %get3A_37 = vector.shape_cast %get3A_36 : vector<1x1x1000xi32> to vector<1000xi32>
    %iota3A = tpu.iota {dimensions = array<i32: 0>} : vector<64x1000xi32>
    %broadcast_in_dim3A = vector.shape_cast %get3A_37 : vector<1000xi32> to vector<1x1000xi32>
    %eq3A = vector.broadcast %broadcast_in_dim3A : vector<1x1000xi32> to vector<64x1000xi32>
    %eq3A_38 = arith.cmpi eq, %iota3A, %eq3A : vector<64x1000xi32>
    %convert_element_type3A = arith.extui %eq3A_38 : vector<64x1000xi1> to vector<64x1000xi32>
    %convert_element_type3A_39 = arith.sitofp %convert_element_type3A : vector<64x1000xi32> to vector<64x1000xf32>
    %eq3A_40 = arith.constant 0 : i32
    %eq3A_41 = arith.cmpi eq, %arg0, %eq3A_40 : i32
    %convert_element_type3A_42 = arith.extui %eq3A_41 : i1 to i32
    %cond3A = arith.constant 0 : i32
    %cond3A_43 = arith.cmpi ne, %convert_element_type3A_42, %cond3A : i32
    scf.if %cond3A_43 {
      %broadcast_in_dim3A_57 = arith.constant 0.000000e+00 : f32
      %broadcast_in_dim3A_58 = vector.broadcast %broadcast_in_dim3A_57 : f32 to vector<64x128xf32>
      %swap3A_59 = arith.constant 0 : index
      %swap3A_60 = arith.constant 0 : index
      %swap3A_61 = vector.load %arg13[%swap3A_59, %swap3A_60] : memref<64x128xf32, #tpu.memory_space<vmem>>, vector<64x128xf32>
      tpu.vector_store %arg13[%swap3A_59, %swap3A_60], %broadcast_in_dim3A_58 {strides = array<i32>} : memref<64x128xf32, #tpu.memory_space<vmem>>, vector<64x128xf32>,
    } else {
    }
    %get3A_44 = arith.constant 0 : index
    %get3A_45 = arith.constant 0 : index
    %get3A_46 = vector.load %arg13[%get3A_44, %get3A_45] : memref<64x128xf32, #tpu.memory_space<vmem>>, vector<64x128xf32>
    %dot_general3A_47 = arith.constant dense<0.000000e+00> : vector<64x128xf32>
    %dot_general3A_48 = tpu.matmul %convert_element_type3A_39, %max3A_32, %dot_general3A_47 {dimension_numbers = #tpu.dot_dimension_numbers<[1], [0], [0], [1], [0, 0, 1, 1], [], []>, transpose_lhs_hint = false} : vector<64x1000xf32>, vector<1000x128xf32>, vector<64x128xf32> -> vector<64x128xf32>
    %add3A_49 = arith.addf %get3A_46, %dot_general3A_48 : vector<64x128xf32>
    %swap3A = arith.constant 0 : index
    %swap3A_50 = arith.constant 0 : index
    %swap3A_51 = vector.load %arg13[%swap3A, %swap3A_50] : memref<64x128xf32, #tpu.memory_space<vmem>>, vector<64x128xf32>
    tpu.vector_store %arg13[%swap3A, %swap3A_50], %add3A_49 {strides = array<i32>} : memref<64x128xf32, #tpu.memory_space<vmem>>, vector<64x128xf32>,
    %eq3A_52 = arith.constant 9 : i32
    %eq3A_53 = arith.cmpi eq, %arg0, %eq3A_52 : i32
    %convert_element_type3A_54 = arith.extui %eq3A_53 : i1 to i32
    %cond3A_55 = arith.constant 0 : i32
    %cond3A_56 = arith.cmpi ne, %convert_element_type3A_54, %cond3A_55 : i32
    scf.if %cond3A_56 {
      %get3A_57 = arith.constant 0 : index
      %get3A_58 = arith.constant 0 : index
      %get3A_59 = vector.load %arg13[%get3A_57, %get3A_58] : memref<64x128xf32, #tpu.memory_space<vmem>>, vector<64x128xf32>
      %get3A_60 = arith.constant 0 : index
      %get3A_61 = arith.constant 0 : index
      %get3A_62 = vector.load %arg9[%get3A_60, %get3A_61] : memref<128x128xf32, #tpu.memory_space<vmem>>, vector<128x128xf32>
      %dot_general3A_63 = arith.constant dense<0.000000e+00> : vector<64x128xf32>
      %dot_general3A_64 = tpu.matmul %get3A_59, %get3A_62, %dot_general3A_63 {dimension_numbers = #tpu.dot_dimension_numbers<[1], [0], [0], [1], [0, 0, 1, 1], [], []>, transpose_lhs_hint = false} : vector<64x128xf32>, vector<128x128xf32>, vector<64x128xf32> -> vector<64x128xf32>
      %get3A_65 = arith.constant 0 : index
      %get3A_66 = arith.constant 0 : index
      %get3A_67 = vector.load %arg10[%get3A_65, %get3A_66] : memref<1x128xf32, #tpu.memory_space<vmem>>, vector<1x128xf32>
      %add3A_68 = vector.broadcast %get3A_67 : vector<1x128xf32> to vector<64x128xf32>
      %add3A_69 = arith.addf %dot_general3A_64, %add3A_68 : vector<64x128xf32>
      %max3A_70 = arith.constant 0.000000e+00 : f32
      %max3A_71 = vector.broadcast %max3A_70 : f32 to vector<64x128xf32>
      %max3A_72 = arith.maximumf %add3A_69, %max3A_71 : vector<64x128xf32>
      %get3A_73 = arith.constant 0 : index
      %get3A_74 = arith.constant 0 : index
      %get3A_75 = vector.load %arg11[%get3A_73, %get3A_74] : memref<128x128xf32, #tpu.memory_space<vmem>>, vector<128x128xf32>
      %dot_general3A_76 = arith.constant dense<0.000000e+00> : vector<64x128xf32>
      %dot_general3A_77 = tpu.matmul %max3A_72, %get3A_75, %dot_general3A_76 {dimension_numbers = #tpu.dot_dimension_numbers<[1], [0], [0], [1], [0, 0, 1, 1], [], []>, transpose_lhs_hint = false} : vector<64x128xf32>, vector<128x128xf32>, vector<64x128xf32> -> vector<64x128xf32>
      %get3A_78 = arith.constant 0 : index
      %get3A_79 = arith.constant 0 : index
      %get3A_80 = vector.load %arg12[%get3A_78, %get3A_79] : memref<1x128xf32, #tpu.memory_space<vmem>>, vector<1x128xf32>
      %add3A_81 = vector.broadcast %get3A_80 : vector<1x128xf32> to vector<64x128xf32>
      %add3A_82 = arith.addf %dot_general3A_77, %add3A_81 : vector<64x128xf32>
      %swap3A_83 = arith.constant 0 : index
      %swap3A_84 = arith.constant 0 : index
      %swap3A_85 = vector.load %arg14[%swap3A_83, %swap3A_84] : memref<64x128xf32, #tpu.memory_space<vmem>>, vector<64x128xf32>
      tpu.vector_store %arg14[%swap3A_83, %swap3A_84], %add3A_82 {strides = array<i32>} : memref<64x128xf32, #tpu.memory_space<vmem>>, vector<64x128xf32>,
    } else {
    }
    return
  }
  func.func @transform_0(%arg0: i32) -> (i32, i32) {
    %c0_i32 = arith.constant 0 : i32
    %c0_i32_0 = arith.constant 0 : i32
    return %arg0, %c0_i32 : i32, i32
  }
  func.func @transform_1(%arg0: i32) -> (i32, i32) {
    %c0_i32 = arith.constant 0 : i32
    %c0_i32_0 = arith.constant 0 : i32
    return %arg0, %c0_i32 : i32, i32
  }
  func.func @transform_2(%arg0: i32) -> (i32, i32) {
    %c0_i32 = arith.constant 0 : i32
    %c0_i32_0 = arith.constant 0 : i32
    return %arg0, %c0_i32 : i32, i32
  }
  func.func @transform_3(%arg0: i32) -> (i32, i32) {
    %c0_i32 = arith.constant 0 : i32
    %c0_i32_0 = arith.constant 0 : i32
    %c0_i32_1 = arith.constant 0 : i32
    return %c0_i32, %c0_i32_0 : i32, i32
  }
  func.func @transform_4(%arg0: i32) -> (i32, i32) {
    %c0_i32 = arith.constant 0 : i32
    %c0_i32_0 = arith.constant 0 : i32
    %c0_i32_1 = arith.constant 0 : i32
    return %c0_i32, %c0_i32_0 : i32, i32
  }
  func.func @transform_5(%arg0: i32) -> (i32, i32) {
    %c0_i32 = arith.constant 0 : i32
    %c0_i32_0 = arith.constant 0 : i32
    %c0_i32_1 = arith.constant 0 : i32
    return %c0_i32, %c0_i32_0 : i32, i32
  }
  func.func @transform_6(%arg0: i32) -> (i32, i32) {
    %c0_i32 = arith.constant 0 : i32
    %c0_i32_0 = arith.constant 0 : i32
    %c0_i32_1 = arith.constant 0 : i32
    return %c0_i32, %c0_i32_0 : i32, i32
  }
  func.func @transform_7(%arg0: i32) -> (i32, i32, i32) {
    %c0_i32 = arith.constant 0 : i32
    %c0_i32_0 = arith.constant 0 : i32
    %c0_i32_1 = arith.constant 0 : i32
    return %arg0, %c0_i32, %c0_i32_0 : i32, i32, i32
  }
  func.func @transform_8(%arg0: i32) -> (i32, i32) {
    %c0_i32 = arith.constant 0 : i32
    %c0_i32_0 = arith.constant 0 : i32
    %c0_i32_1 = arith.constant 0 : i32
    return %c0_i32, %c0_i32_0 : i32, i32
  }
  func.func @transform_9(%arg0: i32) -> (i32, i32) {
    %c0_i32 = arith.constant 0 : i32
    %c0_i32_0 = arith.constant 0 : i32
    %c0_i32_1 = arith.constant 0 : i32
    return %c0_i32, %c0_i32_0 : i32, i32
  }
  func.func @transform_10(%arg0: i32) -> (i32, i32) {
    %c0_i32 = arith.constant 0 : i32
    %c0_i32_0 = arith.constant 0 : i32
    %c0_i32_1 = arith.constant 0 : i32
    return %c0_i32, %c0_i32_0 : i32, i32
  }
  func.func @transform_11(%arg0: i32) -> (i32, i32) {
    %c0_i32 = arith.constant 0 : i32
    %c0_i32_0 = arith.constant 0 : i32
    %c0_i32_1 = arith.constant 0 : i32
    return %c0_i32, %c0_i32_0 : i32, i32
  }
  func.func @transform_12(%arg0: i32) -> (i32, i32) {
    %c0_i32 = arith.constant 0 : i32
    %c0_i32_0 = arith.constant 0 : i32
    %c0_i32_1 = arith.constant 0 : i32
    return %c0_i32, %c0_i32_0 : i32, i32
  }
  func.func @transform_13(%arg0: i32) -> (i32, i32) {
    %c0_i32 = arith.constant 0 : i32
    %c0_i32_0 = arith.constant 0 : i32
    %c0_i32_1 = arith.constant 0 : i32
    return %c0_i32, %c0_i32_0 : i32, i32
  }
}

</mosaic_0001>

<sc_bundles>
// kernel: kernel.6.cloned.1.call-start
scs
__scs_entry_jumppad:
0x0: {  	(pc) =	sbr.rel $0x88, $3  }
0x1: {  	(tag) =	ssettag $0x0;
	lr =	simm.s32 $0x1  }
0x2: {  	[smem:$0x3F92] =	sst lr;
	_ =	strace $0xD0000000  }
0x3: {  	_ = 	snop  }
0x4: {  	_ = 	snop  }
0x5: {  	_ = 	snop  }
0x6: {  	_ = 	snop  }
0x7: {  	_ = 	snop  }
__scs_overlays_trampoline_lowered:
0x8: {  	[smem:$0x3FA1] =	sst s0  }
0x9: {  	[smem:$0x3FA2] =	sst s1  }
0xa: {  	[smem:$0x3FA3] =	sst s2  }
0xb: {  	[smem:$0x3FA4] =	sst s3  }
0xc: {  	[smem:$0x3FA5] =	sst s4  }
0xd: {  	[smem:$0x3FA6] =	sst s5  }
0xe: {  	[smem:$0x3FA7] =	sst s6  }
0xf: {  	[smem:$0x3FA8] =	sst s7  }
0x10: {  	[smem:$0x3FA9] =	sst s8  }
0x11: {  	[smem:$0x3FAA] =	sst s9;
	s0 =	simm.s32 @!p0 $0x0  }
0x12: {  	s1 =	sld [smem:$0x3F90];
	s0 =	simm.s32 @p0 $0x1  }
0x13: {  	[smem:$0x3FAB] =	sst s0;
	s0 =	simm.s32 @!p1 $0x0  }
0x14: {  	s2 =	sld [smem:$0x3F8F];
	s0 =	simm.s32 @p1 $0x1  }
0x15: {  	[smem:$0x3FAC] =	sst s0;
	s0 =	simm.s32 @!p2 $0x0  }
0x16: {  	s3 =	sld [smem:$0x3FDB];
	s0 =	simm.s32 @p2 $0x1  }
0x17: {  	s4 =	simm.s32 $0x1BF5;
	[smem:$0x3FAE] =	sst s0  }
0x18: {  	s0 =	sld [smem:$0x3F91];
	_ =	swait.ge [sflag:s4], $0x0  }
0x19: {  	s7 =	sld [smem:$0x3F92]  }
0x1a: {  	s8 =	sadd.s32 $0xFFFFE003, lr  }
0x1b: {  	s9 =	sadd.s32 $0xFFFFFEF7, lr;
	s5 =	simm.s32 $0xFFFFFFFF;
	p2 =	slt.u32 s8, $0xFFFFF086  }
0x1c: {  	p1 =	slt.u32 s9, $0xF7A;
	s5 =	simm.s32 @!p2 $0x0  }
0x1d: {  	s5 =	simm.s32 @p1 $0x1;
	p0 =	seq.s32 s7, s2  }
0x1e: {  	s7 =	smul.u32 @!p0 $0xF7A, s2;
	p2 =	seq.s32 @!p0 s5, $0x0  }
0x1f: {  	s9 =	smul.u32 $0xF7A, s1;
	s8 =	simm.s32 @!p0 $0x1BF5;
	p2 =	por !p2, p0  }
0x20: {  	[sflag:s8] =	ssyncset.s32 @!p0 $0xFFFFF086;
	s6 =	sadd.s32 @!p0 s3, s7;
	s7 =	simm.s32 @!p0 $0x108  }
0x21: {  	s3 =	sadd.s32 s3, s9;
	s6 =	sadd.s32 @!p0 $0x88, s6;
	s7 =	simm.s32 @p2 $0x1082  }
0x22: {  	[simem:s7], [sflag:s8] =	dma.local @!p0 [hbm:s6], $0xF7A  }
0x23: {  	s9 =	sor.u32 $0xD0000000, s2;
	s6 =	simm.s32 $0x108;
	_ =	swait.ge @!p0 [sflag:s8], $0x0  }
0x24: {  	s3 =	sadd.s32 $0x88, s3;
	s6 =	simm.s32 @!p1 $0x1082;
	[sflag:s4] =	ssyncset.s32 $0xFFFFF086  }
0x25: {  	[simem:s6], [sflag:s4] =	dma.local [hbm:s3], $0xF7A  }
0x26: {  	[smem:$0x3F92] =	sst s1;
	(tag) =	ssettag s2;
	_ =	strace s9  }
0x27: {  	s1 =	sld [smem:$0x3FA2]  }
0x28: {  	s2 =	sld [smem:$0x3FA3]  }
0x29: {  	s4 =	sld [smem:$0x3FA5]  }
0x2a: {  	p0 =	seq.s32 s5, $0x0;
	s5 =	sld [smem:$0x3FA6]  }
0x2b: {  	s6 =	sld [smem:$0x3FA7]  }
0x2c: {  	s7 =	sld [smem:$0x3FA8]  }
0x2d: {  	s3 =	simm.s32 $0x108;
	s8 =	sld [smem:$0x3FA9]  }
0x2e: {  	s3 =	simm.s32 @!p0 $0x1082;
	s9 =	sld [smem:$0x3FAA]  }
0x2f: {  	lr =	sadd.s32 s0, s3;
	s0 =	sld [smem:$0x3FA1]  }
0x30: {  	s3 =	sld [smem:$0x3FA4]  }
0x31: {  	[smem:$0x3FAD] =	sst s10  }
0x32: {  	s10 =	sld [smem:$0x3FAB];
	_ =	sdelay $0x3  }
0x33: {  	p0 =	seq.s32 s10, $0x1;
	s10 =	sld [smem:$0x3FAD];
	_ =	sdelay $0x3  }
0x34: {  	[smem:$0x3FAD] =	sst s10  }
0x35: {  	s10 =	sld [smem:$0x3FAC];
	_ =	sdelay $0x3  }
0x36: {  	p1 =	seq.s32 s10, $0x1;
	s10 =	sld [smem:$0x3FAD];
	_ =	sdelay $0x3  }
0x37: {  	[smem:$0x3FAD] =	sst s10  }
0x38: {  	s10 =	sld [smem:$0x3FAE]  }
0x39: {  	_ = 	snop;
	(pc) =	sbr.ind lr, $3  }
0x3a: {  	_ = 	snop  }
0x3b: {  	_ = 	snop  }
0x3c: {  	p2 =	seq.s32 s10, $0x1;
	s10 =	sld [smem:$0x3FAD]  }
0x3d: {  	_ =	shalt  }
0x3e: {  	_ =	shalt  }
0x3f: {  	_ =	shalt  }
0x40: {  	_ =	shalt  }
0x41: {  	_ =	shalt  }
0x42: {  	_ =	shalt  }
0x43: {  	_ =	shalt  }
0x44: {  	_ =	shalt  }
0x45: {  	_ =	shalt  }
0x46: {  	_ =	shalt  }
0x47: {  	_ =	shalt  }
0x48: {  	_ =	shalt  }
0x49: {  	_ =	shalt  }
0x4a: {  	_ =	shalt  }
0x4b: {  	_ =	shalt  }
0x4c: {  	_ =	shalt  }
0x4d: {  	_ =	shalt  }
0x4e: {  	_ =	shalt  }
0x4f: {  	_ =	shalt  }
0x50: {  	_ =	shalt  }
0x51: {  	_ =	shalt  }
0x52: {  	_ =	shalt  }
0x53: {  	_ =	shalt  }
0x54: {  	_ =	shalt  }
0x55: {  	_ =	shalt  }
0x56: {  	_ =	shalt  }
0x57: {  	_ =	shalt  }
0x58: {  	_ =	shalt  }
0x59: {  	_ =	shalt  }
0x5a: {  	_ =	shalt  }
0x5b: {  	_ =	shalt  }
0x5c: {  	_ =	shalt  }
0x5d: {  	_ =	shalt  }
0x5e: {  	_ =	shalt  }
0x5f: {  	_ =	shalt  }
0x60: {  	_ =	shalt  }
0x61: {  	_ =	shalt  }
0x62: {  	_ =	shalt  }
0x63: {  	_ =	shalt  }
0x64: {  	_ =	shalt  }
0x65: {  	_ =	shalt  }
0x66: {  	_ =	shalt  }
0x67: {  	_ =	shalt  }
0x68: {  	_ =	shalt  }
0x69: {  	_ =	shalt  }
0x6a: {  	_ =	shalt  }
0x6b: {  	_ =	shalt  }
0x6c: {  	_ =	shalt  }
0x6d: {  	_ =	shalt  }
0x6e: {  	_ =	shalt  }
0x6f: {  	_ =	shalt  }
0x70: {  	_ =	shalt  }
0x71: {  	_ =	shalt  }
0x72: {  	_ =	shalt  }
0x73: {  	_ =	shalt  }
0x74: {  	_ =	shalt  }
0x75: {  	_ =	shalt  }
0x76: {  	_ =	shalt  }
0x77: {  	_ =	shalt  }
0x78: {  	_ =	shalt  }
0x79: {  	_ =	shalt  }
0x7a: {  	_ =	shalt  }
0x7b: {  	_ =	shalt  }
0x7c: {  	_ =	shalt  }
0x7d: {  	_ =	shalt  }
0x7e: {  	_ =	shalt  }
0x7f: {  	_ =	shalt  }
0x80: {  	_ =	shalt  }
0x81: {  	_ =	shalt  }
0x82: {  	_ =	shalt  }
0x83: {  	_ =	shalt  }
0x84: {  	_ =	shalt  }
0x85: {  	_ =	shalt  }
0x86: {  	_ =	shalt  }
0x87: {  	_ =	shalt  }
.Lfunc_end0:
.L_simem_size_0:
called_computation_lowered:
.L_overlay_start_0:
0x88: {  	s2 =	sld [smem:$0x3FD9]  }
0x89: {  	s3 =	sld [smem:$0x3FFE];
	_ =	sdelay $0x1  }
0x8a: {  	s1 =	srdreg.scid  }
0x8b: {  	s0 =	sand.u32 $0x1, s1  }
0x8c: {  	s17 =	sshll.u32 s0, $0xA;
	s2 =	sadd.s32 s3, s2  }
0x8d: {  	s2 =	sadd.s32 s2, s17  }
0x8e: {  	[smem:$0x3FB9] =	sst s2  }
0x8f: {  	_ = 	snop  }
0x90: {  	s2 =	sld [smem:$0x3FC9];
	(tm) =	ssettm $0x1  }
0x91: {  	s18 =	sld [smem:$0x3FFB];
	_ =	sdelay $0x3  }
0x92: {  	_ =	strace s18  }
0x93: {  	s3 =	sld [smem:$0x3FFC];
	_ =	sdelay $0x3  }
0x94: {  	_ =	strace s3  }
0x95: {  	s3 =	sld [smem:$0x3FFD];
	_ =	sdelay $0x3  }
0x96: {  	_ =	strace s3  }
0x97: {  	_ =	strace $0x8FFFFFFF  }
0x98: {  	s19 =	sld [smem:$0x3FDB];
	_ =	sdelay $0x1  }
0x99: {  	s4 =	simm.s32 $_scs_section_size  }
0x9a: {  	s5 =	simm.s32 $_size__tile_overlayer_lowered;
	s6 =	simm.s32 $_tile_overlayer_lowered  }
0x9b: {  	s22 =	simm.s32 $0x1BFF;
	s21 =	sshll.u32 s6, $0x1;
	s3 =	sadd.s32 s4, s19  }
0x9c: {  	s7 =	simm.s32 $0x0;
	s20 =	sshll.u32 s5, $0x1;
	s5 =	sadd.s32 s21, s3  }
0x9d: {  	[timem:s7], [sflag:s22] =	dma.local [hbm:s5], s20  }
0x9e: {  	_ =	swait.ge [sflag:s22], s20  }
0x9f: {  	s4 =	ssub.s32 $0x0, s20;
	[sflag:s22] =	ssyncset.done $0x0  }
0xa0: {  	[sflag:s22] =	ssyncadd.s32 s4;
	_ =	sdelay $0x1  }
0xa1: {  	s23 =	simm.s32 $0x1B8B  }
0xa2: {  	_ =	swait.ge [sflag:s23], $0x1  }
0xa3: {  	[sflag:s23] =	ssyncset.done $0x0  }
0xa4: {  	s25 =	simm.s32 $0x1B8E;
	s24 =	sld [smem:$0x3FFE];
	[sflag:s23] =	ssyncadd.s32 $0xFFFFFFFF  }
0xa5: {  	s26 =	simm.s32 $execute0_lowered;
	[smem:$0x3FD2] =	sst s25  }
0xa6: {  	s5 =	sshll.u32 s26, $0x1;
	_ =	strace $0x80000046;
	[dreg:$0x1] =	wrdreg $0xFFFFFFFF  }
0xa7: {  	s28 =	simm.s32 $_size_execute0_lowered;
	s3 =	sadd.s32 s3, s5;
	[dreg:$0x0] =	wrdreg $0x0  }
0xa8: {  	s5 =	sshll.u32 s28, $0x1;
	[dreg:$0x2] =	wrdreg s3  }
0xa9: {  	[dreg:$0x3] =	wrdreg s5  }
0xaa: {  	[dreg:$0x4] =	wrdreg $0xC0  }
0xab: {  	_ =	task [dreg:s7], $0x5FFFF  }
0xac: {  	[dreg:$0x1] =	wrdreg $0xFFFFFFFF  }
0xad: {  	[dreg:$0x0] =	wrdreg $0x60  }
0xae: {  	[dreg:$0x2] =	wrdreg s2  }
0xaf: {  	[dreg:$0x3] =	wrdreg s24  }
0xb0: {  	[dreg:$0x4] =	wrdreg $0x0  }
0xb1: {  	[dreg:$0x5] =	wrdreg $0x9  }
0xb2: {  	_ =	task.clear_ibuf [dreg:s7], $0x6FFFF;
	_ =	strace $0x90000046  }
0xb3: {  	s29 =	simm.s32 $0x9;
	_ =	strace $0x80000048  }
0xb4: {  	_ =	swait.ge [sflag:s29], $0x1  }
0xb5: {  	[sflag:s29] =	ssyncadd.s32 $0xFFFFFFFF  }
0xb6: {  	_ =	strace $0x90000048  }
0xb7: {  	_ =	sfence  }
0xb8: {  	s30 =	sld [smem:$0x0];
	_ =	sdelay $0x2  }
0xb9: {  	s31 =	sshll.u32 s1, $0xD;
	s1 =	sshrl.u32 s1, $0x2  }
0xba: {  	s3 =	sand.u32 $0x4000, s31;
	s1 =	sadd.s32 s1, s30  }
0xbb: {  	s0 =	sor.u32 s3, s0;
	s1 =	sshll.u32 s1, $0x11  }
0xbc: {  	s0 =	sor.u32 s1, s0  }
0xbd: {  	s0 =	sadd.s32 $0x8F2B, s0  }
0xbe: {  	[sflag:s0] =	ssyncadd.remote.s32 $0x1  }
0xbf: {  	_ =	sfence.sel $0xFFFF  }
0xc0: {  	[dreg:$0x0] =	wrdreg $0xFFFFFFFF;
	(pc) =	sbr.abs _section_cstart, $3  }
0xc1: {  	[dreg:$0x1] =	wrdreg $0xFFFFFFFF  }
0xc2: {  	_ =	task.clear_ibuf [dreg:s7], $0x2FFFF;
	_ =	strace $0x9FFFFFFF  }
0xc3: {  	(tm) =	ssettm $0x7FFFFFFF  }
tec
execute0_lowered:
.L_overlay_start_1:
0x0: {  	(tag) =	ssettag $0x1  }
0x1: {  	s1 =	rddreg [dreg:$0x0]  }
0x2: {  	s0 =	rddreg [dreg:$0x1]  }
0x3: {  	s2 =	rddreg [dreg:$0x2];
	s3 =	simm.s32 $0x0  }
0x4: {  	s4 =	srdreg.scid;
	s25 =	stileid.u32;
	s16 =	simm.s32 $0x16800  }
0x5: {  	s17 =	simm.s32 $0x3;
	s18 =	simm.s32 $0x14000;
	s19 =	simm.s32 $0x15400  }
0x6: {  	s20 =	simm.s32 $0x80;
	s21 =	simm.s32 $0x1A800;
	s22 =	simm.s32 $0x1  }
0x7: {  	s23 =	simm.s32 $0x2;
	s28 =	simm.s32 $0x16700;
	s29 =	simm.s32 $0x16780  }
0x8: {  	s30 =	simm.s32 $0x0;
	[smem:$0x7FF] =	sst s3;
	s7 =	smul.u32 $0x50000, s25  }
0x9: {  	s5 =	sand.u32 $0x1, s4;
	s12 =	sadd.s32 $0x3200, s0;
	s10 =	smul.u32 $0x50, s25  }
0xa: {  	s13 =	sadd.s32 $0xD200, s0;
	s24 =	sadd.s32 $0x12C000, s2;
	s6 =	smul.u32 $0x27100, s5  }
0xb: {  	p0 =	seq.s32 s25, $0xF;
	s8 =	ssub.s32 $0x2, s5;
	s9 =	smul.u32 $0x500, s5  }
0xc: {  	_ =	strace $0x80000047;
	s24 =	sshrl.u32 @p0 s24, $0x3;
	s26 =	sshrl.u32 s8, $0x1  }
0xd: {  	s7 =	sshrl.u32 s7, $0x2;
	s0 =	sadd.s32 s6, s0;
	s10 =	sadd.s32 s10, s9  }
0xe: {  	s15 =	ssub.s32 s8, s26;
	s5 =	sadd.s32 s7, s2;
	s14 =	sshll.u32 s10, $0x4  }
0xf: {  	s10 =	sadd.s32 s12, s14;
	s11 =	sadd.s32 s13, s14;
	s14 =	sadd.s32 $0x280, s14  }
0x10: {  	s26 =	simm.s32 $0x15380;
	s31 =	sadd.s32 $0x4000, s5;
	s12 =	sadd.s32 s12, s14  }
0x11: {  	s13 =	sadd.s32 s13, s14;
	s14 =	sadd.s32 $0x17200, s0;
	s0 =	smul.u32 $0x2800, s25  }
0x12: {  	s7 =	sadd.s32 $0x8000, s5;
	s8 =	sadd.s32 $0xC000, s5;
	s9 =	sadd.s32 $0x10000, s5  }
0x13: {  	v0 =	vimm.f32 $0.0e+00;
	s15 =	smax.u32 s15, $0x1;
	[dreg:$0x4] =	wrdreg s31;
	s25 =	sadd.s32 @!p0 s0, s14  }
.LBB2_1:
0x14: {  	s0 =	simm.s32 $0x0  }
0x15: {  	s31 =	simm.s32 $0x10;
	s0 =	sand.u32 $0x3FF0, s0  }
.LBB2_2:
0x16: {  	p1 =	sne.s32 s31, $0x3FF0;
	[tilespmem:s0+$0x16800] =	vst v0;
	s0 =	smov.u32 s31;
	s31 =	sadd.s32 $0x10, s31  }
.Ltmp0:
0x17: {  	(pc) =	sbr.rel @p1 .LBB2_2-.Ltmp0, $2  }
0x18: {  	_ =	sdelay $0x2  }
0x19: {  	s0 =	sand.u32 $0x3FF0, s0  }
0x1a: {  	[tilespmem:s0+$0x16800] =	vst v0  }
0x1b: {  	[spmem:s5] =	stream.linear.scatter [tilespmem:s16], [sflag:$0x3], $0x4000, $0x38;
	[tilespmem:$0x1E800] =	vst v63  }
0x1c: {  	_ =	swait.ge [sflag:s17], $0x4000  }
0x1d: {  	[sflag:s17] =	ssyncset.done $0x0  }
0x1e: {  	s3 =	rddreg [dreg:$0x4];
	[sflag:s17] =	ssyncadd.s32 $0xFFFFC000  }
0x1f: {  	[spmem:s3] =	stream.linear.scatter [tilespmem:s16], [sflag:$0x3], $0x4000, $0x38;
	[tilespmem:$0x1E800] =	vst v63  }
0x20: {  	_ =	swait.ge [sflag:s17], $0x4000  }
0x21: {  	[sflag:s17] =	ssyncset.done $0x0  }
0x22: {  	[sflag:s17] =	ssyncadd.s32 $0xFFFFC000  }
0x23: {  	[spmem:s7] =	stream.linear.scatter [tilespmem:s16], [sflag:$0x3], $0x4000, $0x38;
	[tilespmem:$0x1E800] =	vst v63  }
0x24: {  	_ =	swait.ge [sflag:s17], $0x4000  }
0x25: {  	[sflag:s17] =	ssyncset.done $0x0  }
0x26: {  	[sflag:s17] =	ssyncadd.s32 $0xFFFFC000  }
0x27: {  	[spmem:s8] =	stream.linear.scatter [tilespmem:s16], [sflag:$0x3], $0x4000, $0x38;
	[tilespmem:$0x1E800] =	vst v63  }
0x28: {  	_ =	swait.ge [sflag:s17], $0x4000  }
0x29: {  	[sflag:s17] =	ssyncset.done $0x0  }
0x2a: {  	[sflag:s17] =	ssyncadd.s32 $0xFFFFC000  }
0x2b: {  	[spmem:s9] =	stream.linear.scatter [tilespmem:s16], [sflag:$0x3], $0x4000, $0x38;
	[tilespmem:$0x1E800] =	vst v63  }
0x2c: {  	_ =	swait.ge [sflag:s17], $0x4000  }
0x2d: {  	[sflag:s17] =	ssyncset.done $0x0  }
0x2e: {  	[sflag:s17] =	ssyncadd.s32 $0xFFFFC000  }
0x2f: {  	s4 =	simm.s32 $0x0;
	[bflag:$0x0] =	sbarrier.arrive $0xFFFF  }
0x30: {  	[tilespmem:s18], [sflag:$0x3] =	stream.linear.gather [hbm4b:s10+s4], $0x1400, $0x38;
	[tilespmem:$0x1E800] =	vst v63  }
0x31: {  	_ =	swait.ge [sflag:s17], $0x1400  }
0x32: {  	[sflag:s17] =	ssyncset.done $0x0  }
0x33: {  	[sflag:s17] =	ssyncadd.s32 $0xFFFFEC00  }
0x34: {  	[tilespmem:s19], [sflag:$0x3] =	stream.linear.gather [hbm4b:s11+s4], $0x1400, $0x38;
	[tilespmem:$0x1E800] =	vst v63  }
0x35: {  	_ =	swait.ge [sflag:s17], $0x1400  }
0x36: {  	[sflag:s17] =	ssyncset.done $0x0  }
0x37: {  	[sflag:s17] =	ssyncadd.s32 $0xFFFFEC00  }
0x38: {  	[tilespmem:s16], [sflag:$0x1] =	stream.indirect.gather [hbm4b:s1+s20], $0x80, s18, s20, $0xb8;
	[tilespmem:$0x1E800] =	vst v63  }
0x39: {  	s6 =	simm.s32 $0x14080  }
0x3a: {  	[tilespmem:s21], [sflag:$0x2] =	stream.indirect.gather [hbm4b:s1+s20], $0x80, s6, s20, $0xb8;
	[tilespmem:$0x1E800] =	vst v63  }
0x3b: {  	_ =	swait.ge [sflag:s22], $0x4000  }
0x3c: {  	[sflag:s22] =	ssyncset.done $0x0  }
0x3d: {  	s3 =	simm.s32 $0x15400;
	[sflag:s22] =	ssyncadd.s32 $0xFFFFC000  }
0x3e: {  	[spmem:s2] =	stream.indirect.scatter.add.f32 [tilespmem:s16], [sflag:$0x3], $0x80, s3, s20, $0xb8;
	[tilespmem:$0x1E800] =	vst v63  }
0x3f: {  	_ =	swait.ge [sflag:s17], $0x4000  }
0x40: {  	[sflag:s17] =	ssyncset.done $0x0  }
0x41: {  	s4 =	simm.s32 $0x14100;
	[sflag:s17] =	ssyncadd.s32 $0xFFFFC000  }
0x42: {  	[tilespmem:s16], [sflag:$0x1] =	stream.indirect.gather [hbm4b:s1+s20], $0x80, s4, s20, $0xb8;
	[tilespmem:$0x1E800] =	vst v63  }
0x43: {  	_ =	swait.ge [sflag:s23], $0x4000  }
0x44: {  	[sflag:s23] =	ssyncset.done $0x0  }
0x45: {  	s6 =	simm.s32 $0x15480;
	[sflag:s23] =	ssyncadd.s32 $0xFFFFC000  }
0x46: {  	[spmem:s2] =	stream.indirect.scatter.add.f32 [tilespmem:s21], [sflag:$0x3], $0x80, s6, s20, $0xb8;
	[tilespmem:$0x1E800] =	vst v63  }
0x47: {  	_ =	swait.ge [sflag:s17], $0x4000  }
0x48: {  	s0 =	simm.s32 $0x800;
	s31 =	simm.s32 $0x100;
	[sflag:s17] =	ssyncset.done $0x0  }
.LBB2_4:
0x49: {  	s3 =	sadd.s32 $0x14080, s31  }
0x4a: {  	[sflag:s17] =	ssyncadd.s32 $0xFFFFC000;
	s4 =	smov.u32 s0;
	s6 =	sadd.s32 $0x400, s0  }
0x4b: {  	[tilespmem:s21], [sflag:$0x2] =	stream.indirect.gather [hbm4b:s1+s20], $0x80, s3, s20, $0xb8;
	[tilespmem:$0x1E800] =	vst v63  }
0x4c: {  	p1 =	sne.s32 s0, $0x4800;
	_ =	swait.ge [sflag:s22], $0x4000  }
0x4d: {  	[sflag:s22] =	ssyncset.done $0x0  }
0x4e: {  	s0 =	sadd.s32 $0x15400, s31;
	[sflag:s22] =	ssyncadd.s32 $0xFFFFC000  }
0x4f: {  	[spmem:s2] =	stream.indirect.scatter.add.f32 [tilespmem:s16], [sflag:$0x3], $0x80, s0, s20, $0xb8;
	[tilespmem:$0x1E800] =	vst v63  }
0x50: {  	_ =	swait.ge [sflag:s17], $0x4000  }
0x51: {  	[sflag:s17] =	ssyncset.done $0x0  }
0x52: {  	s0 =	sadd.s32 $0x14100, s31;
	[sflag:s17] =	ssyncadd.s32 $0xFFFFC000  }
0x53: {  	[tilespmem:s16], [sflag:$0x1] =	stream.indirect.gather [hbm4b:s1+s20], $0x80, s0, s20, $0xb8;
	[tilespmem:$0x1E800] =	vst v63  }
0x54: {  	_ =	swait.ge [sflag:s23], $0x4000  }
.Ltmp1:
0x55: {  	[sflag:s23] =	ssyncset.done $0x0;
	(pc) =	sbr.rel @p1 .LBB2_4-.Ltmp1, $4  }
0x56: {  	s0 =	sadd.s32 $0x15480, s31;
	[sflag:s23] =	ssyncadd.s32 $0xFFFFC000  }
0x57: {  	[spmem:s2] =	stream.indirect.scatter.add.f32 [tilespmem:s21], [sflag:$0x3], $0x80, s0, s20, $0xb8;
	[tilespmem:$0x1E800] =	vst v63  }
0x58: {  	_ =	swait.ge [sflag:s17], $0x4000  }
0x59: {  	s31 =	sshra.s32 s4, $0x2;
	s0 =	smov.u32 s6;
	[sflag:s17] =	ssyncset.done $0x0  }
0x5a: {  	s0 =	sadd.s32 $0x14080, s31;
	[sflag:s17] =	ssyncadd.s32 $0xFFFFC000  }
0x5b: {  	[tilespmem:s21], [sflag:$0x2] =	stream.indirect.gather [hbm4b:s1+s20], $0x80, s0, s20, $0xb8;
	[tilespmem:$0x1E800] =	vst v63  }
0x5c: {  	_ =	swait.ge [sflag:s22], $0x4000  }
0x5d: {  	[sflag:s22] =	ssyncset.done $0x0  }
0x5e: {  	s4 =	sadd.s32 $0x15400, s31;
	[sflag:s22] =	ssyncadd.s32 $0xFFFFC000  }
0x5f: {  	[spmem:s2] =	stream.indirect.scatter.add.f32 [tilespmem:s16], [sflag:$0x3], $0x80, s4, s20, $0xb8;
	[tilespmem:$0x1E800] =	vst v63  }
0x60: {  	_ =	swait.ge [sflag:s17], $0x4000  }
0x61: {  	[sflag:s17] =	ssyncset.done $0x0  }
0x62: {  	s6 =	sadd.s32 $0x14100, s31;
	[sflag:s17] =	ssyncadd.s32 $0xFFFFC000  }
0x63: {  	[tilespmem:s16], [sflag:$0x1] =	stream.indirect.gather [hbm4b:s1+s20], $0x80, s6, s20, $0xb8;
	[tilespmem:$0x1E800] =	vst v63  }
0x64: {  	_ =	swait.ge [sflag:s23], $0x4000  }
0x65: {  	[sflag:s23] =	ssyncset.done $0x0  }
0x66: {  	s3 =	sadd.s32 $0x15480, s31;
	[sflag:s23] =	ssyncadd.s32 $0xFFFFC000  }
0x67: {  	[spmem:s2] =	stream.indirect.scatter.add.f32 [tilespmem:s21], [sflag:$0x3], $0x80, s3, s20, $0xb8;
	[tilespmem:$0x1E800] =	vst v63  }
0x68: {  	_ =	swait.ge [sflag:s17], $0x4000  }
0x69: {  	[sflag:s17] =	ssyncset.done $0x0  }
0x6a: {  	[sflag:s17] =	ssyncadd.s32 $0xFFFFC000  }
0x6b: {  	[tilespmem:s21], [sflag:$0x2] =	stream.indirect.gather [hbm4b:s1+s20], $0x80, s26, s20, $0xb8;
	[tilespmem:$0x1E800] =	vst v63  }
0x6c: {  	_ =	swait.ge [sflag:s22], $0x4000  }
0x6d: {  	[sflag:s22] =	ssyncset.done $0x0  }
0x6e: {  	[sflag:s22] =	ssyncadd.s32 $0xFFFFC000  }
0x6f: {  	[spmem:s2] =	stream.indirect.scatter.add.f32 [tilespmem:s16], [sflag:$0x3], $0x80, s28, s20, $0xb8;
	[tilespmem:$0x1E800] =	vst v63  }
0x70: {  	_ =	swait.ge [sflag:s17], $0x4000  }
0x71: {  	[sflag:s17] =	ssyncset.done $0x0  }
0x72: {  	[sflag:s17] =	ssyncadd.s32 $0xFFFFC000  }
0x73: {  	_ =	swait.ge [sflag:s23], $0x4000  }
0x74: {  	[sflag:s23] =	ssyncset.done $0x0  }
0x75: {  	[sflag:s23] =	ssyncadd.s32 $0xFFFFC000  }
0x76: {  	[spmem:s2] =	stream.indirect.scatter.add.f32 [tilespmem:s21], [sflag:$0x3], $0x80, s29, s20, $0xb8;
	[tilespmem:$0x1E800] =	vst v63  }
0x77: {  	_ =	swait.ge [sflag:s17], $0x4000  }
0x78: {  	[sflag:s17] =	ssyncset.done $0x0  }
0x79: {  	s4 =	simm.s32 $0x0;
	[sflag:s17] =	ssyncadd.s32 $0xFFFFC000  }
0x7a: {  	[tilespmem:s18], [sflag:$0x3] =	stream.linear.gather [hbm4b:s12+s4], $0x1400, $0x38;
	[tilespmem:$0x1E800] =	vst v63  }
0x7b: {  	_ =	swait.ge [sflag:s17], $0x1400  }
0x7c: {  	[sflag:s17] =	ssyncset.done $0x0  }
0x7d: {  	[sflag:s17] =	ssyncadd.s32 $0xFFFFEC00  }
0x7e: {  	[tilespmem:s19], [sflag:$0x3] =	stream.linear.gather [hbm4b:s13+s4], $0x1400, $0x38;
	[tilespmem:$0x1E800] =	vst v63  }
0x7f: {  	_ =	swait.ge [sflag:s17], $0x1400  }
0x80: {  	[sflag:s17] =	ssyncset.done $0x0  }
0x81: {  	[sflag:s17] =	ssyncadd.s32 $0xFFFFEC00  }
0x82: {  	[tilespmem:s16], [sflag:$0x1] =	stream.indirect.gather [hbm4b:s1+s20], $0x80, s18, s20, $0xb8;
	[tilespmem:$0x1E800] =	vst v63  }
0x83: {  	s6 =	simm.s32 $0x14080  }
0x84: {  	[tilespmem:s21], [sflag:$0x2] =	stream.indirect.gather [hbm4b:s1+s20], $0x80, s6, s20, $0xb8;
	[tilespmem:$0x1E800] =	vst v63  }
0x85: {  	_ =	swait.ge [sflag:s22], $0x4000  }
0x86: {  	[sflag:s22] =	ssyncset.done $0x0  }
0x87: {  	s3 =	simm.s32 $0x15400;
	[sflag:s22] =	ssyncadd.s32 $0xFFFFC000  }
0x88: {  	[spmem:s2] =	stream.indirect.scatter.add.f32 [tilespmem:s16], [sflag:$0x3], $0x80, s3, s20, $0xb8;
	[tilespmem:$0x1E800] =	vst v63  }
0x89: {  	_ =	swait.ge [sflag:s17], $0x4000  }
0x8a: {  	[sflag:s17] =	ssyncset.done $0x0  }
0x8b: {  	s4 =	simm.s32 $0x14100;
	[sflag:s17] =	ssyncadd.s32 $0xFFFFC000  }
0x8c: {  	[tilespmem:s16], [sflag:$0x1] =	stream.indirect.gather [hbm4b:s1+s20], $0x80, s4, s20, $0xb8;
	[tilespmem:$0x1E800] =	vst v63  }
0x8d: {  	_ =	swait.ge [sflag:s23], $0x4000  }
0x8e: {  	[sflag:s23] =	ssyncset.done $0x0  }
0x8f: {  	s6 =	simm.s32 $0x15480;
	[sflag:s23] =	ssyncadd.s32 $0xFFFFC000  }
0x90: {  	[spmem:s2] =	stream.indirect.scatter.add.f32 [tilespmem:s21], [sflag:$0x3], $0x80, s6, s20, $0xb8;
	[tilespmem:$0x1E800] =	vst v63  }
0x91: {  	_ =	swait.ge [sflag:s17], $0x4000  }
0x92: {  	s31 =	simm.s32 $0x100;
	s0 =	simm.s32 $0x800;
	[sflag:s17] =	ssyncset.done $0x0  }
.LBB2_6:
0x93: {  	s3 =	sadd.s32 $0x14080, s31  }
0x94: {  	[sflag:s17] =	ssyncadd.s32 $0xFFFFC000;
	s4 =	smov.u32 s0;
	s6 =	sadd.s32 $0x400, s0  }
0x95: {  	[tilespmem:s21], [sflag:$0x2] =	stream.indirect.gather [hbm4b:s1+s20], $0x80, s3, s20, $0xb8;
	[tilespmem:$0x1E800] =	vst v63  }
0x96: {  	p1 =	sne.s32 s0, $0x4800;
	_ =	swait.ge [sflag:s22], $0x4000  }
0x97: {  	[sflag:s22] =	ssyncset.done $0x0  }
0x98: {  	s0 =	sadd.s32 $0x15400, s31;
	[sflag:s22] =	ssyncadd.s32 $0xFFFFC000  }
0x99: {  	[spmem:s2] =	stream.indirect.scatter.add.f32 [tilespmem:s16], [sflag:$0x3], $0x80, s0, s20, $0xb8;
	[tilespmem:$0x1E800] =	vst v63  }
0x9a: {  	_ =	swait.ge [sflag:s17], $0x4000  }
0x9b: {  	[sflag:s17] =	ssyncset.done $0x0  }
0x9c: {  	s0 =	sadd.s32 $0x14100, s31;
	[sflag:s17] =	ssyncadd.s32 $0xFFFFC000  }
0x9d: {  	[tilespmem:s16], [sflag:$0x1] =	stream.indirect.gather [hbm4b:s1+s20], $0x80, s0, s20, $0xb8;
	[tilespmem:$0x1E800] =	vst v63  }
0x9e: {  	_ =	swait.ge [sflag:s23], $0x4000  }
.Ltmp2:
0x9f: {  	[sflag:s23] =	ssyncset.done $0x0;
	(pc) =	sbr.rel @p1 .LBB2_6-.Ltmp2, $4  }
0xa0: {  	s0 =	sadd.s32 $0x15480, s31;
	[sflag:s23] =	ssyncadd.s32 $0xFFFFC000  }
0xa1: {  	[spmem:s2] =	stream.indirect.scatter.add.f32 [tilespmem:s21], [sflag:$0x3], $0x80, s0, s20, $0xb8;
	[tilespmem:$0x1E800] =	vst v63  }
0xa2: {  	_ =	swait.ge [sflag:s17], $0x4000  }
0xa3: {  	s31 =	sshra.s32 s4, $0x2;
	s0 =	smov.u32 s6;
	[sflag:s17] =	ssyncset.done $0x0  }
0xa4: {  	s0 =	sadd.s32 $0x14080, s31;
	[sflag:s17] =	ssyncadd.s32 $0xFFFFC000  }
0xa5: {  	[tilespmem:s21], [sflag:$0x2] =	stream.indirect.gather [hbm4b:s1+s20], $0x80, s0, s20, $0xb8;
	[tilespmem:$0x1E800] =	vst v63  }
0xa6: {  	_ =	swait.ge [sflag:s22], $0x4000  }
0xa7: {  	[sflag:s22] =	ssyncset.done $0x0  }
0xa8: {  	s4 =	sadd.s32 $0x15400, s31;
	[sflag:s22] =	ssyncadd.s32 $0xFFFFC000  }
0xa9: {  	[spmem:s2] =	stream.indirect.scatter.add.f32 [tilespmem:s16], [sflag:$0x3], $0x80, s4, s20, $0xb8;
	[tilespmem:$0x1E800] =	vst v63  }
0xaa: {  	_ =	swait.ge [sflag:s17], $0x4000  }
0xab: {  	[sflag:s17] =	ssyncset.done $0x0  }
0xac: {  	s6 =	sadd.s32 $0x14100, s31;
	[sflag:s17] =	ssyncadd.s32 $0xFFFFC000  }
0xad: {  	[tilespmem:s16], [sflag:$0x1] =	stream.indirect.gather [hbm4b:s1+s20], $0x80, s6, s20, $0xb8;
	[tilespmem:$0x1E800] =	vst v63  }
0xae: {  	_ =	swait.ge [sflag:s23], $0x4000  }
0xaf: {  	[sflag:s23] =	ssyncset.done $0x0  }
0xb0: {  	s31 =	sadd.s32 $0x15480, s31;
	[sflag:s23] =	ssyncadd.s32 $0xFFFFC000  }
0xb1: {  	[spmem:s2] =	stream.indirect.scatter.add.f32 [tilespmem:s21], [sflag:$0x3], $0x80, s31, s20, $0xb8;
	[tilespmem:$0x1E800] =	vst v63  }
0xb2: {  	_ =	swait.ge [sflag:s17], $0x4000  }
0xb3: {  	[sflag:s17] =	ssyncset.done $0x0  }
0xb4: {  	[sflag:s17] =	ssyncadd.s32 $0xFFFFC000  }
0xb5: {  	[tilespmem:s21], [sflag:$0x2] =	stream.indirect.gather [hbm4b:s1+s20], $0x80, s26, s20, $0xb8;
	[tilespmem:$0x1E800] =	vst v63  }
0xb6: {  	_ =	swait.ge [sflag:s22], $0x4000  }
0xb7: {  	[sflag:s22] =	ssyncset.done $0x0  }
0xb8: {  	[sflag:s22] =	ssyncadd.s32 $0xFFFFC000  }
0xb9: {  	[spmem:s2] =	stream.indirect.scatter.add.f32 [tilespmem:s16], [sflag:$0x3], $0x80, s28, s20, $0xb8;
	[tilespmem:$0x1E800] =	vst v63  }
0xba: {  	_ =	swait.ge [sflag:s17], $0x4000  }
0xbb: {  	[sflag:s17] =	ssyncset.done $0x0  }
0xbc: {  	[sflag:s17] =	ssyncadd.s32 $0xFFFFC000  }
0xbd: {  	_ =	swait.ge [sflag:s23], $0x4000  }
0xbe: {  	[sflag:s23] =	ssyncset.done $0x0  }
0xbf: {  	[sflag:s23] =	ssyncadd.s32 $0xFFFFC000  }
0xc0: {  	[spmem:s2] =	stream.indirect.scatter.add.f32 [tilespmem:s21], [sflag:$0x3], $0x80, s29, s20, $0xb8;
	[tilespmem:$0x1E800] =	vst v63  }
0xc1: {  	_ =	swait.ge [sflag:s17], $0x4000  }
0xc2: {  	[sflag:s17] =	ssyncset.done $0x0  }
0xc3: {  	[sflag:s17] =	ssyncadd.s32 $0xFFFFC000  }
0xc4: {  	s3 =	simm.s32 @p0 $0x1FC3;
	s0 =	sadd.s32 @p0 $0x25800, s14;
	[bflag:$0x0] =	sbarrier.arrive $0xFFFF  }
0xc5: {  	[hbm:s0], [sflag:s3] =	dma.local @p0 [spmem:s24], $0x1900  }
0xc6: {  	s0 =	simm.s32 @p0 $0x3  }
0xc7: {  	s30 =	sadd.s32 $0x1, s30;
	s3 =	stileid.u32;
	_ =	swait.ge @p0 [sflag:s0], $0x1900  }
0xc8: {  	p1 =	sne.s32 s30, s15;
	s3 =	sshll.u32 @!p0 s3, $0x6;
	[sflag:s0] =	ssyncset.done @p0 $0x0  }
0xc9: {  	[sflag:s0] =	ssyncadd.s32 @p0 $0xFFFFE700;
	s0 =	sor.u32 @!p0 $0x1C03, s3;
	s3 =	sshrl.u32 @!p0 s5, $0x3  }
0xca: {  	[hbm:s25], [sflag:s0] =	dma.local @!p0 [spmem:s3], $0x2800  }
.Ltmp3:
0xcb: {  	_ = 	snop;
	(pc) =	sbr.rel @p1 .LBB2_1-.Ltmp3, $4  }
0xcc: {  	s0 =	simm.s32 @!p0 $0x3  }
0xcd: {  	_ =	swait.ge @!p0 [sflag:s0], $0x2800  }
0xce: {  	[sflag:s0] =	ssyncset.done @!p0 $0x0  }
0xcf: {  	[sflag:s0] =	ssyncadd.s32 @!p0 $0xFFFFD800  }
0xd0: {  	_ =	sfence.sel $0x180000  }
0xd1: {  	[bflag:$0x0] =	sbarrier.arrive $0xFFFF  }
0xd2: {  	_ =	strace $0x90000047  }
0xd3: {  	s0 =	stileid.u32;
	[bflag:$0x2] =	sbarrier.arrive $0xFFFF  }
0xd4: {  	p0 =	sne.s32 s0, $0x0;
	s0 =	rddreg [dreg:$0x3]  }
0xd5: {  	s0 =	sadd.s32 @!p0 $0x100000, s0  }
0xd6: {  	[sflag:s0] =	ssyncadd.tile.s32 @!p0 $0x1;
	_ =	shalt  }
.Lfunc_end2:
_tile_overlayer_lowered:
.L_overlay_start_2:
0xd7: {  	(tag) =	ssettag $0x2  }
0xd8: {  	s0 =	rddreg [dreg:$0x0];
	s2 =	stileid.u32  }
0xd9: {  	s1 =	rddreg [dreg:$0x1];
	p0 =	sne.s32 s2, $0x0  }
0xda: {  	s3 =	rddreg [dreg:$0x2];
	[bflag:$0x3] =	sbarrier.arrive $0xFFFF;
	s2 =	simm.s32 @!p0 $0x1C03  }
0xdb: {  	[timem:s3], [sflag:s2] =	dma.local @!p0 [hbm:s0], s1  }
0xdc: {  	s0 =	simm.s32 @!p0 $0x3  }
0xdd: {  	_ =	swait.ge @!p0 [sflag:s0], s1  }
0xde: {  	s1 =	ssub.s32 @!p0 $0x0, s1;
	[sflag:s0] =	ssyncset.done @!p0 $0x0  }
0xdf: {  	[sflag:s0] =	ssyncadd.s32 @!p0 s1  }
0xe0: {  	[bflag:$0x3] =	sbarrier.arrive $0xFFFF  }
0xe1: {  	_ =	shalt  }

// kernel: kernel.9.cloned.1.call-start
scs
__scs_entry_jumppad:
0x0: {  	(pc) =	sbr.rel $0x88, $3  }
0x1: {  	(tag) =	ssettag $0x0;
	lr =	simm.s32 $0x1  }
0x2: {  	[smem:$0x3F92] =	sst lr;
	_ =	strace $0xD0000000  }
0x3: {  	_ = 	snop  }
0x4: {  	_ = 	snop  }
0x5: {  	_ = 	snop  }
0x6: {  	_ = 	snop  }
0x7: {  	_ = 	snop  }
__scs_overlays_trampoline_lowered:
0x8: {  	[smem:$0x3FA1] =	sst s0  }
0x9: {  	[smem:$0x3FA2] =	sst s1  }
0xa: {  	[smem:$0x3FA3] =	sst s2  }
0xb: {  	[smem:$0x3FA4] =	sst s3  }
0xc: {  	[smem:$0x3FA5] =	sst s4  }
0xd: {  	[smem:$0x3FA6] =	sst s5  }
0xe: {  	[smem:$0x3FA7] =	sst s6  }
0xf: {  	[smem:$0x3FA8] =	sst s7  }
0x10: {  	[smem:$0x3FA9] =	sst s8  }
0x11: {  	[smem:$0x3FAA] =	sst s9;
	s0 =	simm.s32 @!p0 $0x0  }
0x12: {  	s1 =	sld [smem:$0x3F90];
	s0 =	simm.s32 @p0 $0x1  }
0x13: {  	[smem:$0x3FAB] =	sst s0;
	s0 =	simm.s32 @!p1 $0x0  }
0x14: {  	s2 =	sld [smem:$0x3F8F];
	s0 =	simm.s32 @p1 $0x1  }
0x15: {  	[smem:$0x3FAC] =	sst s0;
	s0 =	simm.s32 @!p2 $0x0  }
0x16: {  	s3 =	sld [smem:$0x3FDB];
	s0 =	simm.s32 @p2 $0x1  }
0x17: {  	s4 =	simm.s32 $0x1BF5;
	[smem:$0x3FAE] =	sst s0  }
0x18: {  	s0 =	sld [smem:$0x3F91];
	_ =	swait.ge [sflag:s4], $0x0  }
0x19: {  	s7 =	sld [smem:$0x3F92]  }
0x1a: {  	s8 =	sadd.s32 $0xFFFFE003, lr  }
0x1b: {  	s9 =	sadd.s32 $0xFFFFFEF7, lr;
	s5 =	simm.s32 $0xFFFFFFFF;
	p2 =	slt.u32 s8, $0xFFFFF086  }
0x1c: {  	p1 =	slt.u32 s9, $0xF7A;
	s5 =	simm.s32 @!p2 $0x0  }
0x1d: {  	s5 =	simm.s32 @p1 $0x1;
	p0 =	seq.s32 s7, s2  }
0x1e: {  	s7 =	smul.u32 @!p0 $0xF7A, s2;
	p2 =	seq.s32 @!p0 s5, $0x0  }
0x1f: {  	s9 =	smul.u32 $0xF7A, s1;
	s8 =	simm.s32 @!p0 $0x1BF5;
	p2 =	por !p2, p0  }
0x20: {  	[sflag:s8] =	ssyncset.s32 @!p0 $0xFFFFF086;
	s6 =	sadd.s32 @!p0 s3, s7;
	s7 =	simm.s32 @!p0 $0x108  }
0x21: {  	s3 =	sadd.s32 s3, s9;
	s6 =	sadd.s32 @!p0 $0x88, s6;
	s7 =	simm.s32 @p2 $0x1082  }
0x22: {  	[simem:s7], [sflag:s8] =	dma.local @!p0 [hbm:s6], $0xF7A  }
0x23: {  	s9 =	sor.u32 $0xD0000000, s2;
	s6 =	simm.s32 $0x108;
	_ =	swait.ge @!p0 [sflag:s8], $0x0  }
0x24: {  	s3 =	sadd.s32 $0x88, s3;
	s6 =	simm.s32 @!p1 $0x1082;
	[sflag:s4] =	ssyncset.s32 $0xFFFFF086  }
0x25: {  	[simem:s6], [sflag:s4] =	dma.local [hbm:s3], $0xF7A  }
0x26: {  	[smem:$0x3F92] =	sst s1;
	(tag) =	ssettag s2;
	_ =	strace s9  }
0x27: {  	s1 =	sld [smem:$0x3FA2]  }
0x28: {  	s2 =	sld [smem:$0x3FA3]  }
0x29: {  	s4 =	sld [smem:$0x3FA5]  }
0x2a: {  	p0 =	seq.s32 s5, $0x0;
	s5 =	sld [smem:$0x3FA6]  }
0x2b: {  	s6 =	sld [smem:$0x3FA7]  }
0x2c: {  	s7 =	sld [smem:$0x3FA8]  }
0x2d: {  	s3 =	simm.s32 $0x108;
	s8 =	sld [smem:$0x3FA9]  }
0x2e: {  	s3 =	simm.s32 @!p0 $0x1082;
	s9 =	sld [smem:$0x3FAA]  }
0x2f: {  	lr =	sadd.s32 s0, s3;
	s0 =	sld [smem:$0x3FA1]  }
0x30: {  	s3 =	sld [smem:$0x3FA4]  }
0x31: {  	[smem:$0x3FAD] =	sst s10  }
0x32: {  	s10 =	sld [smem:$0x3FAB];
	_ =	sdelay $0x3  }
0x33: {  	p0 =	seq.s32 s10, $0x1;
	s10 =	sld [smem:$0x3FAD];
	_ =	sdelay $0x3  }
0x34: {  	[smem:$0x3FAD] =	sst s10  }
0x35: {  	s10 =	sld [smem:$0x3FAC];
	_ =	sdelay $0x3  }
0x36: {  	p1 =	seq.s32 s10, $0x1;
	s10 =	sld [smem:$0x3FAD];
	_ =	sdelay $0x3  }
0x37: {  	[smem:$0x3FAD] =	sst s10  }
0x38: {  	s10 =	sld [smem:$0x3FAE]  }
0x39: {  	_ = 	snop;
	(pc) =	sbr.ind lr, $3  }
0x3a: {  	_ = 	snop  }
0x3b: {  	_ = 	snop  }
0x3c: {  	p2 =	seq.s32 s10, $0x1;
	s10 =	sld [smem:$0x3FAD]  }
0x3d: {  	_ =	shalt  }
0x3e: {  	_ =	shalt  }
0x3f: {  	_ =	shalt  }
0x40: {  	_ =	shalt  }
0x41: {  	_ =	shalt  }
0x42: {  	_ =	shalt  }
0x43: {  	_ =	shalt  }
0x44: {  	_ =	shalt  }
0x45: {  	_ =	shalt  }
0x46: {  	_ =	shalt  }
0x47: {  	_ =	shalt  }
0x48: {  	_ =	shalt  }
0x49: {  	_ =	shalt  }
0x4a: {  	_ =	shalt  }
0x4b: {  	_ =	shalt  }
0x4c: {  	_ =	shalt  }
0x4d: {  	_ =	shalt  }
0x4e: {  	_ =	shalt  }
0x4f: {  	_ =	shalt  }
0x50: {  	_ =	shalt  }
0x51: {  	_ =	shalt  }
0x52: {  	_ =	shalt  }
0x53: {  	_ =	shalt  }
0x54: {  	_ =	shalt  }
0x55: {  	_ =	shalt  }
0x56: {  	_ =	shalt  }
0x57: {  	_ =	shalt  }
0x58: {  	_ =	shalt  }
0x59: {  	_ =	shalt  }
0x5a: {  	_ =	shalt  }
0x5b: {  	_ =	shalt  }
0x5c: {  	_ =	shalt  }
0x5d: {  	_ =	shalt  }
0x5e: {  	_ =	shalt  }
0x5f: {  	_ =	shalt  }
0x60: {  	_ =	shalt  }
0x61: {  	_ =	shalt  }
0x62: {  	_ =	shalt  }
0x63: {  	_ =	shalt  }
0x64: {  	_ =	shalt  }
0x65: {  	_ =	shalt  }
0x66: {  	_ =	shalt  }
0x67: {  	_ =	shalt  }
0x68: {  	_ =	shalt  }
0x69: {  	_ =	shalt  }
0x6a: {  	_ =	shalt  }
0x6b: {  	_ =	shalt  }
0x6c: {  	_ =	shalt  }
0x6d: {  	_ =	shalt  }
0x6e: {  	_ =	shalt  }
0x6f: {  	_ =	shalt  }
0x70: {  	_ =	shalt  }
0x71: {  	_ =	shalt  }
0x72: {  	_ =	shalt  }
0x73: {  	_ =	shalt  }
0x74: {  	_ =	shalt  }
0x75: {  	_ =	shalt  }
0x76: {  	_ =	shalt  }
0x77: {  	_ =	shalt  }
0x78: {  	_ =	shalt  }
0x79: {  	_ =	shalt  }
0x7a: {  	_ =	shalt  }
0x7b: {  	_ =	shalt  }
0x7c: {  	_ =	shalt  }
0x7d: {  	_ =	shalt  }
0x7e: {  	_ =	shalt  }
0x7f: {  	_ =	shalt  }
0x80: {  	_ =	shalt  }
0x81: {  	_ =	shalt  }
0x82: {  	_ =	shalt  }
0x83: {  	_ =	shalt  }
0x84: {  	_ =	shalt  }
0x85: {  	_ =	shalt  }
0x86: {  	_ =	shalt  }
0x87: {  	_ =	shalt  }
.Lfunc_end0:
.L_simem_size_0:
called_computation.1_lowered:
.L_overlay_start_0:
0x88: {  	s2 =	sld [smem:$0x3FD9]  }
0x89: {  	s3 =	sld [smem:$0x3FFE];
	_ =	sdelay $0x1  }
0x8a: {  	s1 =	srdreg.scid  }
0x8b: {  	s0 =	sand.u32 $0x1, s1  }
0x8c: {  	s16 =	sshll.u32 s0, $0xA;
	s2 =	sadd.s32 s3, s2  }
0x8d: {  	s2 =	sadd.s32 s2, s16  }
0x8e: {  	[smem:$0x3FB9] =	sst s2  }
0x8f: {  	_ = 	snop  }
0x90: {  	(tm) =	ssettm $0x1  }
0x91: {  	s17 =	sld [smem:$0x3FFB];
	_ =	sdelay $0x3  }
0x92: {  	_ =	strace s17  }
0x93: {  	s2 =	sld [smem:$0x3FFC];
	_ =	sdelay $0x3  }
0x94: {  	_ =	strace s2  }
0x95: {  	s2 =	sld [smem:$0x3FFD];
	_ =	sdelay $0x3  }
0x96: {  	_ =	strace s2  }
0x97: {  	_ =	strace $0x8FFFFFFF  }
0x98: {  	s18 =	sld [smem:$0x3FDB];
	_ =	sdelay $0x1  }
0x99: {  	s19 =	simm.s32 $_scs_section_size  }
0x9a: {  	s4 =	simm.s32 $_size__tile_overlayer_lowered;
	s5 =	simm.s32 $_tile_overlayer_lowered  }
0x9b: {  	s22 =	simm.s32 $0x1BFF;
	s21 =	sshll.u32 s5, $0x1;
	s2 =	sadd.s32 s19, s18  }
0x9c: {  	s6 =	simm.s32 $0x0;
	s20 =	sshll.u32 s4, $0x1;
	s4 =	sadd.s32 s21, s2  }
0x9d: {  	[timem:s6], [sflag:s22] =	dma.local [hbm:s4], s20  }
0x9e: {  	_ =	swait.ge [sflag:s22], s20  }
0x9f: {  	s3 =	ssub.s32 $0x0, s20;
	[sflag:s22] =	ssyncset.done $0x0  }
0xa0: {  	[sflag:s22] =	ssyncadd.s32 s3;
	_ =	sdelay $0x1  }
0xa1: {  	s23 =	simm.s32 $0x1B8B  }
0xa2: {  	_ =	swait.ge [sflag:s23], $0x1  }
0xa3: {  	[sflag:s23] =	ssyncset.done $0x0  }
0xa4: {  	s25 =	simm.s32 $0x1B8E;
	s24 =	sld [smem:$0x3FFE];
	[sflag:s23] =	ssyncadd.s32 $0xFFFFFFFF  }
0xa5: {  	s26 =	simm.s32 $execute0_lowered;
	[smem:$0x3FD2] =	sst s25  }
0xa6: {  	s4 =	sshll.u32 s26, $0x1;
	_ =	strace $0x80000049;
	[dreg:$0x1] =	wrdreg $0xFFFFFFFF  }
0xa7: {  	s28 =	simm.s32 $_size_execute0_lowered;
	s2 =	sadd.s32 s2, s4;
	[dreg:$0x0] =	wrdreg $0x0  }
0xa8: {  	s4 =	sshll.u32 s28, $0x1;
	[dreg:$0x2] =	wrdreg s2  }
0xa9: {  	[dreg:$0x3] =	wrdreg s4  }
0xaa: {  	[dreg:$0x4] =	wrdreg $0xC0  }
0xab: {  	_ =	task [dreg:s6], $0x5FFFF  }
0xac: {  	[dreg:$0x1] =	wrdreg $0xFFFFFFFF  }
0xad: {  	[dreg:$0x0] =	wrdreg $0x60  }
0xae: {  	[dreg:$0x2] =	wrdreg s24  }
0xaf: {  	[dreg:$0x3] =	wrdreg $0x0  }
0xb0: {  	[dreg:$0x4] =	wrdreg $0x9  }
0xb1: {  	_ =	task.clear_ibuf [dreg:s6], $0x5FFFF;
	_ =	strace $0x90000049  }
0xb2: {  	s29 =	simm.s32 $0x9;
	_ =	strace $0x8000004B  }
0xb3: {  	_ =	swait.ge [sflag:s29], $0x1  }
0xb4: {  	[sflag:s29] =	ssyncadd.s32 $0xFFFFFFFF  }
0xb5: {  	_ =	strace $0x9000004B  }
0xb6: {  	_ =	sfence  }
0xb7: {  	s30 =	sld [smem:$0x0];
	_ =	sdelay $0x2  }
0xb8: {  	s31 =	sshll.u32 s1, $0xD;
	s1 =	sshrl.u32 s1, $0x2  }
0xb9: {  	s3 =	sand.u32 $0x4000, s31;
	s1 =	sadd.s32 s1, s30  }
0xba: {  	s0 =	sor.u32 s3, s0;
	s1 =	sshll.u32 s1, $0x11  }
0xbb: {  	s0 =	sor.u32 s1, s0  }
0xbc: {  	s0 =	sadd.s32 $0x8F2B, s0  }
0xbd: {  	[sflag:s0] =	ssyncadd.remote.s32 $0x1  }
0xbe: {  	_ =	sfence.sel $0xFFFF  }
0xbf: {  	[dreg:$0x0] =	wrdreg $0xFFFFFFFF;
	(pc) =	sbr.abs _section_cstart, $3  }
0xc0: {  	[dreg:$0x1] =	wrdreg $0xFFFFFFFF  }
0xc1: {  	_ =	task.clear_ibuf [dreg:s6], $0x2FFFF;
	_ =	strace $0x9FFFFFFF  }
0xc2: {  	(tm) =	ssettm $0x7FFFFFFF  }
0xc3: {  	_ =	shalt  }
tec
execute0_lowered:
.L_overlay_start_1:
0x0: {  	(tag) =	ssettag $0x1  }
0x1: {  	s0 =	rddreg [dreg:$0x0]  }
0x2: {  	s1 =	rddreg [dreg:$0x1];
	s2 =	simm.s32 $0x0;
	s3 =	srdreg.scid  }
0x3: {  	s25 =	stileid.u32;
	s16 =	simm.s32 $0x16800;
	s17 =	simm.s32 $0x3  }
0x4: {  	s18 =	simm.s32 $0x14000;
	s19 =	simm.s32 $0x15400;
	s20 =	simm.s32 $0x80  }
0x5: {  	s21 =	simm.s32 $0x1A800;
	s22 =	simm.s32 $0x1;
	s23 =	simm.s32 $0x2  }
0x6: {  	s28 =	simm.s32 $0x16700;
	s29 =	simm.s32 $0x16780;
	s30 =	simm.s32 $0x0  }
0x7: {  	[smem:$0x7FF] =	sst s2;
	s5 =	sand.u32 $0x1, s3;
	s7 =	smul.u32 $0x50000, s25  }
0x8: {  	s4 =	sadd.s32 $0x17200, s0;
	s12 =	sadd.s32 $0x3200, s0;
	s10 =	smul.u32 $0x50, s25  }
0x9: {  	s13 =	sadd.s32 $0xD200, s0;
	s24 =	sadd.s32 $0x12C000, s1;
	s6 =	smul.u32 $0x27100, s5  }
0xa: {  	p0 =	seq.s32 s25, $0xF;
	s8 =	ssub.s32 $0x2, s5;
	s9 =	smul.u32 $0x500, s5  }
0xb: {  	_ =	strace $0x8000004A;
	s24 =	sshrl.u32 @p0 s24, $0x3;
	s26 =	sshrl.u32 s8, $0x1  }
0xc: {  	s7 =	sshrl.u32 s7, $0x2;
	s0 =	sadd.s32 s6, s0;
	s10 =	sadd.s32 s10, s9  }
0xd: {  	s15 =	ssub.s32 s8, s26;
	s5 =	sadd.s32 s7, s1;
	s14 =	sshll.u32 s10, $0x4  }
0xe: {  	s10 =	sadd.s32 s12, s14;
	s11 =	sadd.s32 s13, s14;
	s14 =	sadd.s32 $0x280, s14  }
0xf: {  	s26 =	simm.s32 $0x15380;
	s31 =	sadd.s32 $0x4000, s5;
	s12 =	sadd.s32 s12, s14  }
0x10: {  	s13 =	sadd.s32 s13, s14;
	s14 =	sadd.s32 $0x3E400, s0;
	s0 =	smul.u32 $0x2800, s25  }
0x11: {  	s7 =	sadd.s32 $0x8000, s5;
	s8 =	sadd.s32 $0xC000, s5;
	s9 =	sadd.s32 $0x10000, s5  }
0x12: {  	v0 =	vimm.f32 $0.0e+00;
	s15 =	smax.u32 s15, $0x1;
	[dreg:$0x3] =	wrdreg s31;
	s25 =	sadd.s32 @!p0 s0, s14  }
.LBB2_1:
0x13: {  	s0 =	simm.s32 $0x0  }
0x14: {  	s31 =	simm.s32 $0x10;
	s0 =	sand.u32 $0x3FF0, s0  }
.LBB2_2:
0x15: {  	p1 =	sne.s32 s31, $0x3FF0;
	[tilespmem:s0+$0x16800] =	vst v0;
	s0 =	smov.u32 s31;
	s31 =	sadd.s32 $0x10, s31  }
.Ltmp0:
0x16: {  	(pc) =	sbr.rel @p1 .LBB2_2-.Ltmp0, $2  }
0x17: {  	_ =	sdelay $0x2  }
0x18: {  	s0 =	sand.u32 $0x3FF0, s0  }
0x19: {  	[tilespmem:s0+$0x16800] =	vst v0  }
0x1a: {  	[spmem:s5] =	stream.linear.scatter [tilespmem:s16], [sflag:$0x3], $0x4000, $0x38;
	[tilespmem:$0x1E800] =	vst v63  }
0x1b: {  	_ =	swait.ge [sflag:s17], $0x4000  }
0x1c: {  	[sflag:s17] =	ssyncset.done $0x0  }
0x1d: {  	s2 =	rddreg [dreg:$0x3];
	[sflag:s17] =	ssyncadd.s32 $0xFFFFC000  }
0x1e: {  	[spmem:s2] =	stream.linear.scatter [tilespmem:s16], [sflag:$0x3], $0x4000, $0x38;
	[tilespmem:$0x1E800] =	vst v63  }
0x1f: {  	_ =	swait.ge [sflag:s17], $0x4000  }
0x20: {  	[sflag:s17] =	ssyncset.done $0x0  }
0x21: {  	[sflag:s17] =	ssyncadd.s32 $0xFFFFC000  }
0x22: {  	[spmem:s7] =	stream.linear.scatter [tilespmem:s16], [sflag:$0x3], $0x4000, $0x38;
	[tilespmem:$0x1E800] =	vst v63  }
0x23: {  	_ =	swait.ge [sflag:s17], $0x4000  }
0x24: {  	[sflag:s17] =	ssyncset.done $0x0  }
0x25: {  	[sflag:s17] =	ssyncadd.s32 $0xFFFFC000  }
0x26: {  	[spmem:s8] =	stream.linear.scatter [tilespmem:s16], [sflag:$0x3], $0x4000, $0x38;
	[tilespmem:$0x1E800] =	vst v63  }
0x27: {  	_ =	swait.ge [sflag:s17], $0x4000  }
0x28: {  	[sflag:s17] =	ssyncset.done $0x0  }
0x29: {  	[sflag:s17] =	ssyncadd.s32 $0xFFFFC000  }
0x2a: {  	[spmem:s9] =	stream.linear.scatter [tilespmem:s16], [sflag:$0x3], $0x4000, $0x38;
	[tilespmem:$0x1E800] =	vst v63  }
0x2b: {  	_ =	swait.ge [sflag:s17], $0x4000  }
0x2c: {  	[sflag:s17] =	ssyncset.done $0x0  }
0x2d: {  	[sflag:s17] =	ssyncadd.s32 $0xFFFFC000  }
0x2e: {  	s3 =	simm.s32 $0x0;
	[bflag:$0x0] =	sbarrier.arrive $0xFFFF  }
0x2f: {  	[tilespmem:s18], [sflag:$0x3] =	stream.linear.gather [hbm4b:s10+s3], $0x1400, $0x38;
	[tilespmem:$0x1E800] =	vst v63  }
0x30: {  	_ =	swait.ge [sflag:s17], $0x1400  }
0x31: {  	[sflag:s17] =	ssyncset.done $0x0  }
0x32: {  	[sflag:s17] =	ssyncadd.s32 $0xFFFFEC00  }
0x33: {  	[tilespmem:s19], [sflag:$0x3] =	stream.linear.gather [hbm4b:s11+s3], $0x1400, $0x38;
	[tilespmem:$0x1E800] =	vst v63  }
0x34: {  	_ =	swait.ge [sflag:s17], $0x1400  }
0x35: {  	[sflag:s17] =	ssyncset.done $0x0  }
0x36: {  	[sflag:s17] =	ssyncadd.s32 $0xFFFFEC00  }
0x37: {  	[tilespmem:s16], [sflag:$0x1] =	stream.indirect.gather [hbm4b:s4+s20], $0x80, s18, s20, $0xb8;
	[tilespmem:$0x1E800] =	vst v63  }
0x38: {  	s6 =	simm.s32 $0x14080  }
0x39: {  	[tilespmem:s21], [sflag:$0x2] =	stream.indirect.gather [hbm4b:s4+s20], $0x80, s6, s20, $0xb8;
	[tilespmem:$0x1E800] =	vst v63  }
0x3a: {  	_ =	swait.ge [sflag:s22], $0x4000  }
0x3b: {  	[sflag:s22] =	ssyncset.done $0x0  }
0x3c: {  	s2 =	simm.s32 $0x15400;
	[sflag:s22] =	ssyncadd.s32 $0xFFFFC000  }
0x3d: {  	[spmem:s1] =	stream.indirect.scatter.add.f32 [tilespmem:s16], [sflag:$0x3], $0x80, s2, s20, $0xb8;
	[tilespmem:$0x1E800] =	vst v63  }
0x3e: {  	_ =	swait.ge [sflag:s17], $0x4000  }
0x3f: {  	[sflag:s17] =	ssyncset.done $0x0  }
0x40: {  	s3 =	simm.s32 $0x14100;
	[sflag:s17] =	ssyncadd.s32 $0xFFFFC000  }
0x41: {  	[tilespmem:s16], [sflag:$0x1] =	stream.indirect.gather [hbm4b:s4+s20], $0x80, s3, s20, $0xb8;
	[tilespmem:$0x1E800] =	vst v63  }
0x42: {  	_ =	swait.ge [sflag:s23], $0x4000  }
0x43: {  	[sflag:s23] =	ssyncset.done $0x0  }
0x44: {  	s6 =	simm.s32 $0x15480;
	[sflag:s23] =	ssyncadd.s32 $0xFFFFC000  }
0x45: {  	[spmem:s1] =	stream.indirect.scatter.add.f32 [tilespmem:s21], [sflag:$0x3], $0x80, s6, s20, $0xb8;
	[tilespmem:$0x1E800] =	vst v63  }
0x46: {  	_ =	swait.ge [sflag:s17], $0x4000  }
0x47: {  	s0 =	simm.s32 $0x800;
	s31 =	simm.s32 $0x100;
	[sflag:s17] =	ssyncset.done $0x0  }
.LBB2_4:
0x48: {  	s2 =	sadd.s32 $0x14080, s31  }
0x49: {  	[sflag:s17] =	ssyncadd.s32 $0xFFFFC000;
	s3 =	smov.u32 s0;
	s6 =	sadd.s32 $0x400, s0  }
0x4a: {  	[tilespmem:s21], [sflag:$0x2] =	stream.indirect.gather [hbm4b:s4+s20], $0x80, s2, s20, $0xb8;
	[tilespmem:$0x1E800] =	vst v63  }
0x4b: {  	p1 =	sne.s32 s0, $0x4800;
	_ =	swait.ge [sflag:s22], $0x4000  }
0x4c: {  	[sflag:s22] =	ssyncset.done $0x0  }
0x4d: {  	s0 =	sadd.s32 $0x15400, s31;
	[sflag:s22] =	ssyncadd.s32 $0xFFFFC000  }
0x4e: {  	[spmem:s1] =	stream.indirect.scatter.add.f32 [tilespmem:s16], [sflag:$0x3], $0x80, s0, s20, $0xb8;
	[tilespmem:$0x1E800] =	vst v63  }
0x4f: {  	_ =	swait.ge [sflag:s17], $0x4000  }
0x50: {  	[sflag:s17] =	ssyncset.done $0x0  }
0x51: {  	s0 =	sadd.s32 $0x14100, s31;
	[sflag:s17] =	ssyncadd.s32 $0xFFFFC000  }
0x52: {  	[tilespmem:s16], [sflag:$0x1] =	stream.indirect.gather [hbm4b:s4+s20], $0x80, s0, s20, $0xb8;
	[tilespmem:$0x1E800] =	vst v63  }
0x53: {  	_ =	swait.ge [sflag:s23], $0x4000  }
.Ltmp1:
0x54: {  	[sflag:s23] =	ssyncset.done $0x0;
	(pc) =	sbr.rel @p1 .LBB2_4-.Ltmp1, $4  }
0x55: {  	s0 =	sadd.s32 $0x15480, s31;
	[sflag:s23] =	ssyncadd.s32 $0xFFFFC000  }
0x56: {  	[spmem:s1] =	stream.indirect.scatter.add.f32 [tilespmem:s21], [sflag:$0x3], $0x80, s0, s20, $0xb8;
	[tilespmem:$0x1E800] =	vst v63  }
0x57: {  	_ =	swait.ge [sflag:s17], $0x4000  }
0x58: {  	s31 =	sshra.s32 s3, $0x2;
	s0 =	smov.u32 s6;
	[sflag:s17] =	ssyncset.done $0x0  }
0x59: {  	s0 =	sadd.s32 $0x14080, s31;
	[sflag:s17] =	ssyncadd.s32 $0xFFFFC000  }
0x5a: {  	[tilespmem:s21], [sflag:$0x2] =	stream.indirect.gather [hbm4b:s4+s20], $0x80, s0, s20, $0xb8;
	[tilespmem:$0x1E800] =	vst v63  }
0x5b: {  	_ =	swait.ge [sflag:s22], $0x4000  }
0x5c: {  	[sflag:s22] =	ssyncset.done $0x0  }
0x5d: {  	s3 =	sadd.s32 $0x15400, s31;
	[sflag:s22] =	ssyncadd.s32 $0xFFFFC000  }
0x5e: {  	[spmem:s1] =	stream.indirect.scatter.add.f32 [tilespmem:s16], [sflag:$0x3], $0x80, s3, s20, $0xb8;
	[tilespmem:$0x1E800] =	vst v63  }
0x5f: {  	_ =	swait.ge [sflag:s17], $0x4000  }
0x60: {  	[sflag:s17] =	ssyncset.done $0x0  }
0x61: {  	s6 =	sadd.s32 $0x14100, s31;
	[sflag:s17] =	ssyncadd.s32 $0xFFFFC000  }
0x62: {  	[tilespmem:s16], [sflag:$0x1] =	stream.indirect.gather [hbm4b:s4+s20], $0x80, s6, s20, $0xb8;
	[tilespmem:$0x1E800] =	vst v63  }
0x63: {  	_ =	swait.ge [sflag:s23], $0x4000  }
0x64: {  	[sflag:s23] =	ssyncset.done $0x0  }
0x65: {  	s2 =	sadd.s32 $0x15480, s31;
	[sflag:s23] =	ssyncadd.s32 $0xFFFFC000  }
0x66: {  	[spmem:s1] =	stream.indirect.scatter.add.f32 [tilespmem:s21], [sflag:$0x3], $0x80, s2, s20, $0xb8;
	[tilespmem:$0x1E800] =	vst v63  }
0x67: {  	_ =	swait.ge [sflag:s17], $0x4000  }
0x68: {  	[sflag:s17] =	ssyncset.done $0x0  }
0x69: {  	[sflag:s17] =	ssyncadd.s32 $0xFFFFC000  }
0x6a: {  	[tilespmem:s21], [sflag:$0x2] =	stream.indirect.gather [hbm4b:s4+s20], $0x80, s26, s20, $0xb8;
	[tilespmem:$0x1E800] =	vst v63  }
0x6b: {  	_ =	swait.ge [sflag:s22], $0x4000  }
0x6c: {  	[sflag:s22] =	ssyncset.done $0x0  }
0x6d: {  	[sflag:s22] =	ssyncadd.s32 $0xFFFFC000  }
0x6e: {  	[spmem:s1] =	stream.indirect.scatter.add.f32 [tilespmem:s16], [sflag:$0x3], $0x80, s28, s20, $0xb8;
	[tilespmem:$0x1E800] =	vst v63  }
0x6f: {  	_ =	swait.ge [sflag:s17], $0x4000  }
0x70: {  	[sflag:s17] =	ssyncset.done $0x0  }
0x71: {  	[sflag:s17] =	ssyncadd.s32 $0xFFFFC000  }
0x72: {  	_ =	swait.ge [sflag:s23], $0x4000  }
0x73: {  	[sflag:s23] =	ssyncset.done $0x0  }
0x74: {  	[sflag:s23] =	ssyncadd.s32 $0xFFFFC000  }
0x75: {  	[spmem:s1] =	stream.indirect.scatter.add.f32 [tilespmem:s21], [sflag:$0x3], $0x80, s29, s20, $0xb8;
	[tilespmem:$0x1E800] =	vst v63  }
0x76: {  	_ =	swait.ge [sflag:s17], $0x4000  }
0x77: {  	[sflag:s17] =	ssyncset.done $0x0  }
0x78: {  	s3 =	simm.s32 $0x0;
	[sflag:s17] =	ssyncadd.s32 $0xFFFFC000  }
0x79: {  	[tilespmem:s18], [sflag:$0x3] =	stream.linear.gather [hbm4b:s12+s3], $0x1400, $0x38;
	[tilespmem:$0x1E800] =	vst v63  }
0x7a: {  	_ =	swait.ge [sflag:s17], $0x1400  }
0x7b: {  	[sflag:s17] =	ssyncset.done $0x0  }
0x7c: {  	[sflag:s17] =	ssyncadd.s32 $0xFFFFEC00  }
0x7d: {  	[tilespmem:s19], [sflag:$0x3] =	stream.linear.gather [hbm4b:s13+s3], $0x1400, $0x38;
	[tilespmem:$0x1E800] =	vst v63  }
0x7e: {  	_ =	swait.ge [sflag:s17], $0x1400  }
0x7f: {  	[sflag:s17] =	ssyncset.done $0x0  }
0x80: {  	[sflag:s17] =	ssyncadd.s32 $0xFFFFEC00  }
0x81: {  	[tilespmem:s16], [sflag:$0x1] =	stream.indirect.gather [hbm4b:s4+s20], $0x80, s18, s20, $0xb8;
	[tilespmem:$0x1E800] =	vst v63  }
0x82: {  	s6 =	simm.s32 $0x14080  }
0x83: {  	[tilespmem:s21], [sflag:$0x2] =	stream.indirect.gather [hbm4b:s4+s20], $0x80, s6, s20, $0xb8;
	[tilespmem:$0x1E800] =	vst v63  }
0x84: {  	_ =	swait.ge [sflag:s22], $0x4000  }
0x85: {  	[sflag:s22] =	ssyncset.done $0x0  }
0x86: {  	s2 =	simm.s32 $0x15400;
	[sflag:s22] =	ssyncadd.s32 $0xFFFFC000  }
0x87: {  	[spmem:s1] =	stream.indirect.scatter.add.f32 [tilespmem:s16], [sflag:$0x3], $0x80, s2, s20, $0xb8;
	[tilespmem:$0x1E800] =	vst v63  }
0x88: {  	_ =	swait.ge [sflag:s17], $0x4000  }
0x89: {  	[sflag:s17] =	ssyncset.done $0x0  }
0x8a: {  	s3 =	simm.s32 $0x14100;
	[sflag:s17] =	ssyncadd.s32 $0xFFFFC000  }
0x8b: {  	[tilespmem:s16], [sflag:$0x1] =	stream.indirect.gather [hbm4b:s4+s20], $0x80, s3, s20, $0xb8;
	[tilespmem:$0x1E800] =	vst v63  }
0x8c: {  	_ =	swait.ge [sflag:s23], $0x4000  }
0x8d: {  	[sflag:s23] =	ssyncset.done $0x0  }
0x8e: {  	s6 =	simm.s32 $0x15480;
	[sflag:s23] =	ssyncadd.s32 $0xFFFFC000  }
0x8f: {  	[spmem:s1] =	stream.indirect.scatter.add.f32 [tilespmem:s21], [sflag:$0x3], $0x80, s6, s20, $0xb8;
	[tilespmem:$0x1E800] =	vst v63  }
0x90: {  	_ =	swait.ge [sflag:s17], $0x4000  }
0x91: {  	s31 =	simm.s32 $0x100;
	s0 =	simm.s32 $0x800;
	[sflag:s17] =	ssyncset.done $0x0  }
.LBB2_6:
0x92: {  	s2 =	sadd.s32 $0x14080, s31  }
0x93: {  	[sflag:s17] =	ssyncadd.s32 $0xFFFFC000;
	s3 =	smov.u32 s0;
	s6 =	sadd.s32 $0x400, s0  }
0x94: {  	[tilespmem:s21], [sflag:$0x2] =	stream.indirect.gather [hbm4b:s4+s20], $0x80, s2, s20, $0xb8;
	[tilespmem:$0x1E800] =	vst v63  }
0x95: {  	p1 =	sne.s32 s0, $0x4800;
	_ =	swait.ge [sflag:s22], $0x4000  }
0x96: {  	[sflag:s22] =	ssyncset.done $0x0  }
0x97: {  	s0 =	sadd.s32 $0x15400, s31;
	[sflag:s22] =	ssyncadd.s32 $0xFFFFC000  }
0x98: {  	[spmem:s1] =	stream.indirect.scatter.add.f32 [tilespmem:s16], [sflag:$0x3], $0x80, s0, s20, $0xb8;
	[tilespmem:$0x1E800] =	vst v63  }
0x99: {  	_ =	swait.ge [sflag:s17], $0x4000  }
0x9a: {  	[sflag:s17] =	ssyncset.done $0x0  }
0x9b: {  	s0 =	sadd.s32 $0x14100, s31;
	[sflag:s17] =	ssyncadd.s32 $0xFFFFC000  }
0x9c: {  	[tilespmem:s16], [sflag:$0x1] =	stream.indirect.gather [hbm4b:s4+s20], $0x80, s0, s20, $0xb8;
	[tilespmem:$0x1E800] =	vst v63  }
0x9d: {  	_ =	swait.ge [sflag:s23], $0x4000  }
.Ltmp2:
0x9e: {  	[sflag:s23] =	ssyncset.done $0x0;
	(pc) =	sbr.rel @p1 .LBB2_6-.Ltmp2, $4  }
0x9f: {  	s0 =	sadd.s32 $0x15480, s31;
	[sflag:s23] =	ssyncadd.s32 $0xFFFFC000  }
0xa0: {  	[spmem:s1] =	stream.indirect.scatter.add.f32 [tilespmem:s21], [sflag:$0x3], $0x80, s0, s20, $0xb8;
	[tilespmem:$0x1E800] =	vst v63  }
0xa1: {  	_ =	swait.ge [sflag:s17], $0x4000  }
0xa2: {  	s31 =	sshra.s32 s3, $0x2;
	s0 =	smov.u32 s6;
	[sflag:s17] =	ssyncset.done $0x0  }
0xa3: {  	s0 =	sadd.s32 $0x14080, s31;
	[sflag:s17] =	ssyncadd.s32 $0xFFFFC000  }
0xa4: {  	[tilespmem:s21], [sflag:$0x2] =	stream.indirect.gather [hbm4b:s4+s20], $0x80, s0, s20, $0xb8;
	[tilespmem:$0x1E800] =	vst v63  }
0xa5: {  	_ =	swait.ge [sflag:s22], $0x4000  }
0xa6: {  	[sflag:s22] =	ssyncset.done $0x0  }
0xa7: {  	s3 =	sadd.s32 $0x15400, s31;
	[sflag:s22] =	ssyncadd.s32 $0xFFFFC000  }
0xa8: {  	[spmem:s1] =	stream.indirect.scatter.add.f32 [tilespmem:s16], [sflag:$0x3], $0x80, s3, s20, $0xb8;
	[tilespmem:$0x1E800] =	vst v63  }
0xa9: {  	_ =	swait.ge [sflag:s17], $0x4000  }
0xaa: {  	[sflag:s17] =	ssyncset.done $0x0  }
0xab: {  	s6 =	sadd.s32 $0x14100, s31;
	[sflag:s17] =	ssyncadd.s32 $0xFFFFC000  }
0xac: {  	[tilespmem:s16], [sflag:$0x1] =	stream.indirect.gather [hbm4b:s4+s20], $0x80, s6, s20, $0xb8;
	[tilespmem:$0x1E800] =	vst v63  }
0xad: {  	_ =	swait.ge [sflag:s23], $0x4000  }
0xae: {  	[sflag:s23] =	ssyncset.done $0x0  }
0xaf: {  	s31 =	sadd.s32 $0x15480, s31;
	[sflag:s23] =	ssyncadd.s32 $0xFFFFC000  }
0xb0: {  	[spmem:s1] =	stream.indirect.scatter.add.f32 [tilespmem:s21], [sflag:$0x3], $0x80, s31, s20, $0xb8;
	[tilespmem:$0x1E800] =	vst v63  }
0xb1: {  	_ =	swait.ge [sflag:s17], $0x4000  }
0xb2: {  	[sflag:s17] =	ssyncset.done $0x0  }
0xb3: {  	[sflag:s17] =	ssyncadd.s32 $0xFFFFC000  }
0xb4: {  	[tilespmem:s21], [sflag:$0x2] =	stream.indirect.gather [hbm4b:s4+s20], $0x80, s26, s20, $0xb8;
	[tilespmem:$0x1E800] =	vst v63  }
0xb5: {  	_ =	swait.ge [sflag:s22], $0x4000  }
0xb6: {  	[sflag:s22] =	ssyncset.done $0x0  }
0xb7: {  	[sflag:s22] =	ssyncadd.s32 $0xFFFFC000  }
0xb8: {  	[spmem:s1] =	stream.indirect.scatter.add.f32 [tilespmem:s16], [sflag:$0x3], $0x80, s28, s20, $0xb8;
	[tilespmem:$0x1E800] =	vst v63  }
0xb9: {  	_ =	swait.ge [sflag:s17], $0x4000  }
0xba: {  	[sflag:s17] =	ssyncset.done $0x0  }
0xbb: {  	[sflag:s17] =	ssyncadd.s32 $0xFFFFC000  }
0xbc: {  	_ =	swait.ge [sflag:s23], $0x4000  }
0xbd: {  	[sflag:s23] =	ssyncset.done $0x0  }
0xbe: {  	[sflag:s23] =	ssyncadd.s32 $0xFFFFC000  }
0xbf: {  	[spmem:s1] =	stream.indirect.scatter.add.f32 [tilespmem:s21], [sflag:$0x3], $0x80, s29, s20, $0xb8;
	[tilespmem:$0x1E800] =	vst v63  }
0xc0: {  	_ =	swait.ge [sflag:s17], $0x4000  }
0xc1: {  	[sflag:s17] =	ssyncset.done $0x0  }
0xc2: {  	[sflag:s17] =	ssyncadd.s32 $0xFFFFC000  }
0xc3: {  	s2 =	simm.s32 @p0 $0x1FC3;
	s0 =	sadd.s32 @p0 $0x25800, s14;
	[bflag:$0x0] =	sbarrier.arrive $0xFFFF  }
0xc4: {  	[hbm:s0], [sflag:s2] =	dma.local @p0 [spmem:s24], $0x1900  }
0xc5: {  	s0 =	simm.s32 @p0 $0x3  }
0xc6: {  	s30 =	sadd.s32 $0x1, s30;
	s2 =	stileid.u32;
	_ =	swait.ge @p0 [sflag:s0], $0x1900  }
0xc7: {  	p1 =	sne.s32 s30, s15;
	s2 =	sshll.u32 @!p0 s2, $0x6;
	[sflag:s0] =	ssyncset.done @p0 $0x0  }
0xc8: {  	[sflag:s0] =	ssyncadd.s32 @p0 $0xFFFFE700;
	s0 =	sor.u32 @!p0 $0x1C03, s2;
	s2 =	sshrl.u32 @!p0 s5, $0x3  }
0xc9: {  	[hbm:s25], [sflag:s0] =	dma.local @!p0 [spmem:s2], $0x2800  }
.Ltmp3:
0xca: {  	_ = 	snop;
	(pc) =	sbr.rel @p1 .LBB2_1-.Ltmp3, $4  }
0xcb: {  	s0 =	simm.s32 @!p0 $0x3  }
0xcc: {  	_ =	swait.ge @!p0 [sflag:s0], $0x2800  }
0xcd: {  	[sflag:s0] =	ssyncset.done @!p0 $0x0  }
0xce: {  	[sflag:s0] =	ssyncadd.s32 @!p0 $0xFFFFD800  }
0xcf: {  	_ =	sfence.sel $0x180000  }
0xd0: {  	[bflag:$0x0] =	sbarrier.arrive $0xFFFF  }
0xd1: {  	_ =	strace $0x9000004A  }
0xd2: {  	s0 =	stileid.u32;
	[bflag:$0x2] =	sbarrier.arrive $0xFFFF  }
0xd3: {  	p0 =	sne.s32 s0, $0x0;
	s0 =	rddreg [dreg:$0x2]  }
0xd4: {  	s0 =	sadd.s32 @!p0 $0x100000, s0  }
0xd5: {  	[sflag:s0] =	ssyncadd.tile.s32 @!p0 $0x1;
	_ =	shalt  }
.Lfunc_end2:
_tile_overlayer_lowered:
.L_overlay_start_2:
0xd6: {  	(tag) =	ssettag $0x2  }
0xd7: {  	s0 =	rddreg [dreg:$0x0];
	s2 =	stileid.u32  }
0xd8: {  	s1 =	rddreg [dreg:$0x1];
	p0 =	sne.s32 s2, $0x0  }
0xd9: {  	s3 =	rddreg [dreg:$0x2];
	[bflag:$0x3] =	sbarrier.arrive $0xFFFF;
	s2 =	simm.s32 @!p0 $0x1C03  }
0xda: {  	[timem:s3], [sflag:s2] =	dma.local @!p0 [hbm:s0], s1  }
0xdb: {  	s0 =	simm.s32 @!p0 $0x3  }
0xdc: {  	_ =	swait.ge @!p0 [sflag:s0], s1  }
0xdd: {  	s1 =	ssub.s32 @!p0 $0x0, s1;
	[sflag:s0] =	ssyncset.done @!p0 $0x0  }
0xde: {  	[sflag:s0] =	ssyncadd.s32 @!p0 s1  }
0xdf: {  	[bflag:$0x3] =	sbarrier.arrive $0xFFFF  }
0xe0: {  	_ =	shalt  }

</sc_bundles>
